<compile_context>
chip_gen: v7x
topology: tpu7x:2x2x1
jax: 0.10.2.dev20260603
libtpu: 0.0.44.dev20260713+nightly
codegen_flags: <defaults>
</compile_context>

<pallas_src>
import functools

import jax
import jax.numpy as jnp
from jax import lax
from jax.experimental import pallas as pl
from jax.experimental.pallas import tpu as pltpu
from jax.experimental.pallas import tpu_sc as plsc


def _sc_embed_gather(ids, mask, table):
    bsz, seq = ids.shape
    n_tokens = bsz * seq
    d_model = table.shape[1]

    info = plsc.get_sparse_core_info()
    nc, ns = info.num_cores, info.num_subcores
    nw = nc * ns
    n_per_w = n_tokens // nw
    w_per_row = seq // n_per_w
    chunk = 16
    nbuf = 4
    la = 3
    n_chunks = n_per_w // chunk
    assert seq % n_per_w == 0 and n_per_w % chunk == 0
    assert n_chunks % nbuf == 0 and 0 < la < nbuf
    assert nbuf * chunk * d_model * 4 <= 500 * 1024

    mesh = plsc.VectorSubcoreMesh(core_axis_name="c", subcore_axis_name="s")

    @functools.partial(
        pl.kernel,
        out_type=(
            jax.ShapeDtypeStruct((n_tokens, d_model), jnp.float32),
            jax.ShapeDtypeStruct((bsz, seq), jnp.int32),
            jax.ShapeDtypeStruct((bsz, seq), jnp.int32),
        ),
        mesh=mesh,
        scratch_types=[
            pltpu.VMEM((n_per_w,), jnp.int32),
            pltpu.VMEM((n_per_w,), jnp.int32),
            pltpu.VMEM((n_per_w,), jnp.int32),
            pltpu.VMEM((nbuf, chunk, d_model), jnp.float32),
            pltpu.SemaphoreType.DMA,
            pltpu.SemaphoreType.DMA,
            pltpu.SemaphoreType.DMA,
        ],
    )
    def k(ids_hbm, mask_hbm, table_hbm, out_hbm, pos_hbm, mask_out_hbm,
          idx_v, pos_v, mask_v, rows_v, gsem, ssem, psem):
        wid = lax.axis_index("s") * nc + lax.axis_index("c")
        base = wid * n_per_w
        row = wid // w_per_row
        colbase = (wid % w_per_row) * n_per_w
        pltpu.sync_copy(
            ids_hbm.at[row, pl.ds(colbase, n_per_w)],
            idx_v,
        )


        def _idx(j):
            return idx_v.at[pl.ds(pl.multiple_of(j * chunk, 8), chunk)]

        def gather_start(j, b):
            pltpu.async_copy(table_hbm.at[_idx(j)], rows_v.at[b], gsem)

        def gather_wait(j, b):
            pltpu.make_async_copy(
                table_hbm.at[_idx(j)], rows_v.at[b], gsem
            ).wait()

        def scat_start(j, b):
            pltpu.async_copy(
                rows_v.at[b], out_hbm.at[pl.ds(base + j * chunk, chunk)], ssem
            )

        def scat_wait(j, b):
            pltpu.make_async_copy(
                rows_v.at[b], out_hbm.at[pl.ds(base + j * chunk, chunk)], ssem
            ).wait()

        for j in range(la):
            gather_start(j, j % nbuf)

        piota = lax.iota(jnp.int32, 16)

        def fill(c, carry):
            off = pl.multiple_of(c * 16, 8)
            pos_v[pl.ds(off, 16)] = piota + (colbase + c * 16)
            return carry

        lax.fori_loop(0, n_per_w // 16, fill, 0)
        pltpu.async_copy(pos_v, pos_hbm.at[row, pl.ds(colbase, n_per_w)], psem)

        pltpu.async_copy(mask_hbm.at[row, pl.ds(colbase, n_per_w)], mask_v,
                         psem)

        def group(g, carry):
            for b in range(nbuf):
                j = nbuf * g + b
                jn = j + la

                @pl.when((jn < n_chunks) & (jn >= nbuf))
                def _():
                    scat_wait(jn - nbuf, jn % nbuf)

                @pl.when(jn < n_chunks)
                def _():
                    gather_start(jn, jn % nbuf)

                gather_wait(j, b)
                scat_start(j, b)
            return carry

        lax.fori_loop(0, n_chunks // nbuf, group, 0, unroll=False)
        for j in range(n_chunks - nbuf, n_chunks):
            scat_wait(j, j % nbuf)
        pltpu.make_async_copy(
            pos_v, pos_hbm.at[row, pl.ds(colbase, n_per_w)], psem
        ).wait()
        pltpu.make_async_copy(
            mask_hbm.at[row, pl.ds(colbase, n_per_w)], mask_v, psem
        ).wait()
        pltpu.sync_copy(mask_v, mask_out_hbm.at[row, pl.ds(colbase, n_per_w)])

    return k(ids, mask, table)


def kernel(input_ids, attention_mask, embed_table):
    b, t = input_ids.shape
    hidden, position_ids, mask_out = _sc_embed_gather(
        input_ids.astype(jnp.int32), attention_mask.astype(jnp.int32),
        embed_table
    )
    hidden = hidden.reshape(b, t, embed_table.shape[1])
    return (hidden, mask_out.astype(attention_mask.dtype),
            position_ids.astype(input_ids.dtype))

# --- scband reference (transcript-rebuilt; emitter-appended) ---
"""Pipeline reference for scband-embed-pipe-45904610460207 (READ-ONLY COPY).

The authoritative reference and input builder live on the scoring server;
editing this copy changes nothing except your own understanding.
"""

import jax, jax.numpy as jnp
import numpy as np

VOCAB = 100000
D_MODEL = 1024
B = 4
T = 8192

def setup_inputs(seed: int = 0) -> dict:
    key = jax.random.key(seed)
    k1, k2 = jax.random.split(key)
    input_ids = jax.random.randint(k1, (B, T), 0, VOCAB, dtype=jnp.int64) if jax.config.jax_enable_x64 else jax.random.randint(k1, (B, T), 0, VOCAB, dtype=jnp.int32)
    attention_mask = jnp.ones((B, T), dtype=input_ids.dtype)
    embed_table = jax.random.normal(k2, (VOCAB, D_MODEL), dtype=jnp.float32) * 0.02
    return {"input_ids": input_ids, "attention_mask": attention_mask, "embed_table": embed_table}

def reference(input_ids, attention_mask, embed_table):
    # hidden = self.embed_tokens(input_ids)
    hidden = jnp.take(embed_table, input_ids, axis=0)
    b, t = input_ids.shape
    # position_ids = torch.arange(t).unsqueeze(0).expand(b, t)
    position_ids = jnp.broadcast_to(jnp.arange(t, dtype=input_ids.dtype)[None, :], (b, t))
    return (hidden, attention_mask, position_ids)

if __name__ == "__main__":
    import jax
    _d = setup_inputs()
    print(jax.jit(kernel)(*tuple(_d.values())))

</pallas_src>

<mosaic_0001>
#map = affine_map<(d0, d1) -> (0, 0)>
module attributes {stable_mosaic.version = 14 : i64} {
  func.func @k(%arg0: i32, %arg1: i32, %arg2: memref<4x8192xi32, #tpu.memory_space<hbm>>, %arg3: memref<4x8192xi32, #tpu.memory_space<hbm>>, %arg4: memref<100000x1024xf32, #tpu.memory_space<hbm>>, %arg5: memref<32768x1024xf32, #tpu.memory_space<hbm>>, %arg6: memref<4x8192xi32, #tpu.memory_space<hbm>>, %arg7: memref<4x8192xi32, #tpu.memory_space<hbm>>, %arg8: memref<1024xi32, #tpu.memory_space<vmem>>, %arg9: memref<1024xi32, #tpu.memory_space<vmem>>, %arg10: memref<1024xi32, #tpu.memory_space<vmem>>, %arg11: memref<4x16x1024xf32, #tpu.memory_space<vmem>>, %arg12: memref<!tpu.dma_semaphore, #tpu.memory_space<semaphore_mem>>, %arg13: memref<!tpu.dma_semaphore, #tpu.memory_space<semaphore_mem>>, %arg14: memref<!tpu.dma_semaphore, #tpu.memory_space<semaphore_mem>>) attributes {dimension_semantics = [#tpu.dimension_semantics<core_parallel>, #tpu.dimension_semantics<subcore_parallel>], iteration_bounds = array<i64: 2, 16>, scalar_prefetch = 0 : i64, scratch_operands = 7 : i64, tpu.core_type = #tpu.core_type<sc_vector_subcore>, window_params = [{transform_indices = #map}, {transform_indices = #map}, {transform_indices = #map}, {transform_indices = #map}, {transform_indices = #map}, {transform_indices = #map}]} {
    %mul3A = arith.constant 2 : i32
    %mul3A_0 = arith.muli %arg1, %mul3A : i32
    %add3A = arith.addi %mul3A_0, %arg0 : i32
    %mul3A_1 = arith.constant 1024 : i32
    %mul3A_2 = arith.muli %add3A, %mul3A_1 : i32
    %jit3A = arith.constant 8 : i32
    %div3A = arith.divsi %add3A, %jit3A : i32
    %sign3A = arith.constant 0 : i32
    %sign3A_3 = arith.cmpi sgt, %add3A, %sign3A : i32
    %sign3A_4 = arith.extui %sign3A_3 : i1 to i32
    %sign3A_5 = arith.constant 0 : i32
    %sign3A_6 = arith.cmpi slt, %add3A, %sign3A_5 : i32
    %sign3A_7 = arith.extui %sign3A_6 : i1 to i32
    %sign3A_8 = arith.subi %sign3A_4, %sign3A_7 : i32
    %sign3A_9 = arith.constant 0 : i32
    %sign3A_10 = arith.cmpi sgt, %jit3A, %sign3A_9 : i32
    %sign3A_11 = arith.extui %sign3A_10 : i1 to i32
    %sign3A_12 = arith.constant 0 : i32
    %sign3A_13 = arith.cmpi slt, %jit3A, %sign3A_12 : i32
    %sign3A_14 = arith.extui %sign3A_13 : i1 to i32
    %sign3A_15 = arith.subi %sign3A_11, %sign3A_14 : i32
    %ne3A = arith.cmpi ne, %sign3A_8, %sign3A_15 : i32
    %rem3A = arith.remsi %add3A, %jit3A : i32
    %ne3A_16 = arith.constant 0 : i32
    %ne3A_17 = arith.cmpi ne, %rem3A, %ne3A_16 : i32
    %and3A = arith.andi %ne3A, %ne3A_17 : i1
    %sub3A = arith.constant 1 : i32
    %sub3A_18 = arith.subi %div3A, %sub3A : i32
    %select_n3A = arith.select %and3A, %sub3A_18, %div3A : i32
    %jit3A_19 = arith.constant 8 : i32
    %eq3A = arith.constant 0 : i32
    %eq3A_20 = arith.cmpi eq, %jit3A_19, %eq3A : i32
    %jit3A_21 = arith.constant 1 : i32
    %select_n3A_22 = arith.select %eq3A_20, %jit3A_21, %jit3A_19 : i32
    %rem3A_23 = arith.remsi %add3A, %select_n3A_22 : i32
    %ne3A_24 = arith.constant 0 : i32
    %ne3A_25 = arith.cmpi ne, %rem3A_23, %ne3A_24 : i32
    %lt3A = arith.constant 0 : i32
    %lt3A_26 = arith.cmpi slt, %rem3A_23, %lt3A : i32
    %lt3A_27 = arith.constant 0 : i32
    %lt3A_28 = arith.cmpi slt, %select_n3A_22, %lt3A_27 : i32
    %ne3A_29 = arith.xori %lt3A_26, %lt3A_28 : i1
    %and3A_30 = arith.andi %ne3A_29, %ne3A_25 : i1
    %add3A_31 = arith.addi %rem3A_23, %select_n3A_22 : i32
    %select_n3A_32 = arith.select %and3A_30, %add3A_31, %rem3A_23 : i32
    %mul3A_33 = arith.constant 1024 : i32
    %mul3A_34 = arith.muli %select_n3A_32, %mul3A_33 : i32
    "tpu.region"() ({
      %run_scoped3A = tpu.sem_alloc : memref<!tpu.dma_semaphore, #tpu.memory_space<semaphore_mem>>
      %dma_start3A_152 = tpu.memref_slice %arg2[%select_n3A, %mul3A_34] : memref<4x8192xi32, #tpu.memory_space<hbm>> -> memref<1x1024xi32, #tpu.memory_space<hbm>>
      %dma_start3A_153 = tpu.memref_squeeze %dma_start3A_152 : memref<1x1024xi32, #tpu.memory_space<hbm>> -> memref<1024xi32, #tpu.memory_space<hbm>>
      %dma_start3A_154 = tpu.memref_slice %arg2[%select_n3A, %mul3A_34] : memref<4x8192xi32, #tpu.memory_space<hbm>> -> memref<1x1024xi32, #tpu.memory_space<hbm>>
      %dma_start3A_155 = tpu.memref_squeeze %dma_start3A_154 : memref<1x1024xi32, #tpu.memory_space<hbm>> -> memref<1024xi32, #tpu.memory_space<hbm>>
      tpu.enqueue_dma source(%dma_start3A_155 : memref<1024xi32, #tpu.memory_space<hbm>>) target(%arg8 : memref<1024xi32, #tpu.memory_space<vmem>>) target_semaphore(%run_scoped3A : memref<!tpu.dma_semaphore, #tpu.memory_space<semaphore_mem>>)
      %dma_wait3A_156 = tpu.memref_slice %arg2[%select_n3A, %mul3A_34] : memref<4x8192xi32, #tpu.memory_space<hbm>> -> memref<1x1024xi32, #tpu.memory_space<hbm>>
      %dma_wait3A_157 = tpu.memref_squeeze %dma_wait3A_156 : memref<1x1024xi32, #tpu.memory_space<hbm>> -> memref<1024xi32, #tpu.memory_space<hbm>>
      %dma_wait3A_158 = tpu.memref_slice %arg2[%select_n3A, %mul3A_34] : memref<4x8192xi32, #tpu.memory_space<hbm>> -> memref<1x1024xi32, #tpu.memory_space<hbm>>
      %dma_wait3A_159 = tpu.memref_squeeze %dma_wait3A_158 : memref<1x1024xi32, #tpu.memory_space<hbm>> -> memref<1024xi32, #tpu.memory_space<hbm>>
      tpu.wait_dma2 semaphore(%run_scoped3A : memref<!tpu.dma_semaphore, #tpu.memory_space<semaphore_mem>>) src(%dma_wait3A_159 : memref<1024xi32, #tpu.memory_space<hbm>>) dst(%arg8 : memref<1024xi32, #tpu.memory_space<vmem>>)
      tpu.yield
    }) : () -> ()
    %multiple_of3A = arith.constant 0 : i32
    %multiple_of3A_35 = tpu.assume_multiple %multiple_of3A, 8 : i32
    %dma_start3A = arith.constant 0 : i32
    %dma_start3A_36 = arith.constant 0 : i32
    %dma_start3A_37 = arith.constant 0 : i32
    %dma_start3A_38 = tpu.memref_slice %arg11[%dma_start3A, %dma_start3A_36, %dma_start3A_37] : memref<4x16x1024xf32, #tpu.memory_space<vmem>> -> memref<1x16x1024xf32, #tpu.memory_space<vmem>>
    %dma_start3A_39 = tpu.memref_squeeze %dma_start3A_38 : memref<1x16x1024xf32, #tpu.memory_space<vmem>> -> memref<16x1024xf32, #tpu.memory_space<vmem>>
    %dma_start3A_40 = tpu.memref_slice %arg8[%multiple_of3A_35] : memref<1024xi32, #tpu.memory_space<vmem>> -> memref<16xi32, #tpu.memory_space<vmem>>
    %dma_start3A_41 = arith.constant 0 : i32
    %dma_start3A_42 = arith.constant 0 : i32
    %dma_start3A_43 = tpu.memref_slice %arg4[%dma_start3A_41, %dma_start3A_42] : memref<100000x1024xf32, #tpu.memory_space<hbm>> -> memref<100000x1024xf32, #tpu.memory_space<hbm>>
    tpu.enqueue_indirect_dma source(%dma_start3A_43 : memref<100000x1024xf32, #tpu.memory_space<hbm>>) target(%dma_start3A_39 : memref<16x1024xf32, #tpu.memory_space<vmem>>) offsets(%dma_start3A_40 : memref<16xi32, #tpu.memory_space<vmem>>) semaphore(%arg12 : memref<!tpu.dma_semaphore, #tpu.memory_space<semaphore_mem>>)
    %multiple_of3A_44 = arith.constant 16 : i32
    %multiple_of3A_45 = tpu.assume_multiple %multiple_of3A_44, 8 : i32
    %dma_start3A_46 = arith.constant 1 : i32
    %dma_start3A_47 = arith.constant 0 : i32
    %dma_start3A_48 = arith.constant 0 : i32
    %dma_start3A_49 = tpu.memref_slice %arg11[%dma_start3A_46, %dma_start3A_47, %dma_start3A_48] : memref<4x16x1024xf32, #tpu.memory_space<vmem>> -> memref<1x16x1024xf32, #tpu.memory_space<vmem>>
    %dma_start3A_50 = tpu.memref_squeeze %dma_start3A_49 : memref<1x16x1024xf32, #tpu.memory_space<vmem>> -> memref<16x1024xf32, #tpu.memory_space<vmem>>
    %dma_start3A_51 = tpu.memref_slice %arg8[%multiple_of3A_45] : memref<1024xi32, #tpu.memory_space<vmem>> -> memref<16xi32, #tpu.memory_space<vmem>>
    %dma_start3A_52 = arith.constant 0 : i32
    %dma_start3A_53 = arith.constant 0 : i32
    %dma_start3A_54 = tpu.memref_slice %arg4[%dma_start3A_52, %dma_start3A_53] : memref<100000x1024xf32, #tpu.memory_space<hbm>> -> memref<100000x1024xf32, #tpu.memory_space<hbm>>
    tpu.enqueue_indirect_dma source(%dma_start3A_54 : memref<100000x1024xf32, #tpu.memory_space<hbm>>) target(%dma_start3A_50 : memref<16x1024xf32, #tpu.memory_space<vmem>>) offsets(%dma_start3A_51 : memref<16xi32, #tpu.memory_space<vmem>>) semaphore(%arg12 : memref<!tpu.dma_semaphore, #tpu.memory_space<semaphore_mem>>)
    %multiple_of3A_55 = arith.constant 32 : i32
    %multiple_of3A_56 = tpu.assume_multiple %multiple_of3A_55, 8 : i32
    %dma_start3A_57 = arith.constant 2 : i32
    %dma_start3A_58 = arith.constant 0 : i32
    %dma_start3A_59 = arith.constant 0 : i32
    %dma_start3A_60 = tpu.memref_slice %arg11[%dma_start3A_57, %dma_start3A_58, %dma_start3A_59] : memref<4x16x1024xf32, #tpu.memory_space<vmem>> -> memref<1x16x1024xf32, #tpu.memory_space<vmem>>
    %dma_start3A_61 = tpu.memref_squeeze %dma_start3A_60 : memref<1x16x1024xf32, #tpu.memory_space<vmem>> -> memref<16x1024xf32, #tpu.memory_space<vmem>>
    %dma_start3A_62 = tpu.memref_slice %arg8[%multiple_of3A_56] : memref<1024xi32, #tpu.memory_space<vmem>> -> memref<16xi32, #tpu.memory_space<vmem>>
    %dma_start3A_63 = arith.constant 0 : i32
    %dma_start3A_64 = arith.constant 0 : i32
    %dma_start3A_65 = tpu.memref_slice %arg4[%dma_start3A_63, %dma_start3A_64] : memref<100000x1024xf32, #tpu.memory_space<hbm>> -> memref<100000x1024xf32, #tpu.memory_space<hbm>>
    tpu.enqueue_indirect_dma source(%dma_start3A_65 : memref<100000x1024xf32, #tpu.memory_space<hbm>>) target(%dma_start3A_61 : memref<16x1024xf32, #tpu.memory_space<vmem>>) offsets(%dma_start3A_62 : memref<16xi32, #tpu.memory_space<vmem>>) semaphore(%arg12 : memref<!tpu.dma_semaphore, #tpu.memory_space<semaphore_mem>>)
    %iota3A = tpu.iota {dimensions = array<i32: 0>} : vector<16xi32>
    %scan3A = arith.constant 0 : i32
    %scan3A_66 = arith.constant 0 : i32
    %scan3A_67 = arith.constant 64 : i32
    %scan3A_68 = arith.addi %scan3A_66, %scan3A_67 : i32
    %scan3A_69 = arith.constant 1 : i32
    scf.for %scan3A_152 = %scan3A_66 to %scan3A_68 step %scan3A_69  : i32 {
      %mul3A_153 = arith.constant 16 : i32
      %mul3A_154 = arith.muli %scan3A_152, %mul3A_153 : i32
      %multiple_of3A_155 = tpu.assume_multiple %mul3A_154, 8 : i32
      %mul3A_156 = arith.constant 16 : i32
      %mul3A_157 = arith.muli %scan3A_152, %mul3A_156 : i32
      %add3A_158 = arith.addi %mul3A_34, %mul3A_157 : i32
      %add3A_159 = vector.broadcast %add3A_158 : i32 to vector<16xi32>
      %add3A_160 = arith.addi %iota3A, %add3A_159 : vector<16xi32>
      %swap3A = arith.index_cast %multiple_of3A_155 : i32 to index
      %swap3A_161 = tpu.vector_load %arg9[%swap3A] {strides = array<i32>} : memref<1024xi32, #tpu.memory_space<vmem>>, vector<16xi32>,
      %swap3A_162 = vector.shape_cast %swap3A_161 : vector<16xi32> to vector<16xi32>
      %swap3A_163 = vector.shape_cast %add3A_160 : vector<16xi32> to vector<16xi32>
      tpu.vector_store %arg9[%swap3A], %swap3A_163 {strides = array<i32>} : memref<1024xi32, #tpu.memory_space<vmem>>, vector<16xi32>,
    }
    %scan3A_70 = arith.constant 64 : i32
    %dma_start3A_71 = tpu.memref_slice %arg6[%select_n3A, %mul3A_34] : memref<4x8192xi32, #tpu.memory_space<hbm>> -> memref<1x1024xi32, #tpu.memory_space<hbm>>
    %dma_start3A_72 = tpu.memref_squeeze %dma_start3A_71 : memref<1x1024xi32, #tpu.memory_space<hbm>> -> memref<1024xi32, #tpu.memory_space<hbm>>
    %dma_start3A_73 = tpu.memref_slice %arg6[%select_n3A, %mul3A_34] : memref<4x8192xi32, #tpu.memory_space<hbm>> -> memref<1x1024xi32, #tpu.memory_space<hbm>>
    %dma_start3A_74 = tpu.memref_squeeze %dma_start3A_73 : memref<1x1024xi32, #tpu.memory_space<hbm>> -> memref<1024xi32, #tpu.memory_space<hbm>>
    tpu.enqueue_dma source(%arg9 : memref<1024xi32, #tpu.memory_space<vmem>>) target(%dma_start3A_74 : memref<1024xi32, #tpu.memory_space<hbm>>) target_semaphore(%arg14 : memref<!tpu.dma_semaphore, #tpu.memory_space<semaphore_mem>>)
    %dma_start3A_75 = tpu.memref_slice %arg3[%select_n3A, %mul3A_34] : memref<4x8192xi32, #tpu.memory_space<hbm>> -> memref<1x1024xi32, #tpu.memory_space<hbm>>
    %dma_start3A_76 = tpu.memref_squeeze %dma_start3A_75 : memref<1x1024xi32, #tpu.memory_space<hbm>> -> memref<1024xi32, #tpu.memory_space<hbm>>
    %dma_start3A_77 = tpu.memref_slice %arg3[%select_n3A, %mul3A_34] : memref<4x8192xi32, #tpu.memory_space<hbm>> -> memref<1x1024xi32, #tpu.memory_space<hbm>>
    %dma_start3A_78 = tpu.memref_squeeze %dma_start3A_77 : memref<1x1024xi32, #tpu.memory_space<hbm>> -> memref<1024xi32, #tpu.memory_space<hbm>>
    tpu.enqueue_dma source(%dma_start3A_78 : memref<1024xi32, #tpu.memory_space<hbm>>) target(%arg10 : memref<1024xi32, #tpu.memory_space<vmem>>) target_semaphore(%arg14 : memref<!tpu.dma_semaphore, #tpu.memory_space<semaphore_mem>>)
    %scan3A_79 = arith.constant 0 : i32
    %scan3A_80 = arith.constant 0 : i32
    %scan3A_81 = arith.constant 16 : i32
    %scan3A_82 = arith.addi %scan3A_80, %scan3A_81 : i32
    %scan3A_83 = arith.constant 1 : i32
    scf.for %scan3A_152 = %scan3A_80 to %scan3A_82 step %scan3A_83  : i32 {
      %mul3A_153 = arith.constant 4 : i32
      %mul3A_154 = arith.muli %mul3A_153, %scan3A_152 : i32
      %add3A_155 = arith.constant 0 : i32
      %add3A_156 = arith.addi %mul3A_154, %add3A_155 : i32
      %add3A_157 = arith.constant 3 : i32
      %add3A_158 = arith.addi %add3A_156, %add3A_157 : i32
      %lt3A_159 = arith.constant 64 : i32
      %lt3A_160 = arith.cmpi slt, %add3A_158, %lt3A_159 : i32
      %ge3A = arith.constant 4 : i32
      %ge3A_161 = arith.cmpi sge, %add3A_158, %ge3A : i32
      %and3A_162 = arith.andi %lt3A_160, %ge3A_161 : i1
      %convert_element_type3A = arith.extui %and3A_162 : i1 to i32
      %cond3A = arith.constant 0 : i32
      %cond3A_163 = arith.cmpi ne, %convert_element_type3A, %cond3A : i32
      scf.if %cond3A_163 {
        %sub3A_338 = arith.constant 4 : i32
        %sub3A_339 = arith.subi %add3A_158, %sub3A_338 : i32
        %jit3A_340 = arith.constant 4 : i32
        %eq3A_341 = arith.constant 0 : i32
        %eq3A_342 = arith.cmpi eq, %jit3A_340, %eq3A_341 : i32
        %jit3A_343 = arith.constant 1 : i32
        %select_n3A_344 = arith.select %eq3A_342, %jit3A_343, %jit3A_340 : i32
        %rem3A_345 = arith.remsi %add3A_158, %select_n3A_344 : i32
        %ne3A_346 = arith.constant 0 : i32
        %ne3A_347 = arith.cmpi ne, %rem3A_345, %ne3A_346 : i32
        %lt3A_348 = arith.constant 0 : i32
        %lt3A_349 = arith.cmpi slt, %rem3A_345, %lt3A_348 : i32
        %lt3A_350 = arith.constant 0 : i32
        %lt3A_351 = arith.cmpi slt, %select_n3A_344, %lt3A_350 : i32
        %ne3A_352 = arith.xori %lt3A_349, %lt3A_351 : i1
        %and3A_353 = arith.andi %ne3A_352, %ne3A_347 : i1
        %add3A_354 = arith.addi %rem3A_345, %select_n3A_344 : i32
        %select_n3A_355 = arith.select %and3A_353, %add3A_354, %rem3A_345 : i32
        %mul3A_356 = arith.constant 16 : i32
        %mul3A_357 = arith.muli %sub3A_339, %mul3A_356 : i32
        %add3A_358 = arith.addi %mul3A_2, %mul3A_357 : i32
        %dma_wait3A_359 = arith.constant 0 : i32
        %dma_wait3A_360 = arith.constant 0 : i32
        %dma_wait3A_361 = tpu.memref_slice %arg11[%select_n3A_355, %dma_wait3A_359, %dma_wait3A_360] : memref<4x16x1024xf32, #tpu.memory_space<vmem>> -> memref<1x16x1024xf32, #tpu.memory_space<vmem>>
        %dma_wait3A_362 = tpu.memref_squeeze %dma_wait3A_361 : memref<1x16x1024xf32, #tpu.memory_space<vmem>> -> memref<16x1024xf32, #tpu.memory_space<vmem>>
        %dma_wait3A_363 = arith.constant 0 : i32
        %dma_wait3A_364 = tpu.memref_slice %arg5[%add3A_358, %dma_wait3A_363] : memref<32768x1024xf32, #tpu.memory_space<hbm>> -> memref<16x1024xf32, #tpu.memory_space<hbm>>
        %dma_wait3A_365 = arith.constant 0 : i32
        %dma_wait3A_366 = tpu.memref_slice %arg5[%add3A_358, %dma_wait3A_365] : memref<32768x1024xf32, #tpu.memory_space<hbm>> -> memref<16x1024xf32, #tpu.memory_space<hbm>>
        %dma_wait3A_367 = arith.constant 0 : i32
        %dma_wait3A_368 = arith.constant 0 : i32
        %dma_wait3A_369 = tpu.memref_slice %arg11[%select_n3A_355, %dma_wait3A_367, %dma_wait3A_368] : memref<4x16x1024xf32, #tpu.memory_space<vmem>> -> memref<1x16x1024xf32, #tpu.memory_space<vmem>>
        %dma_wait3A_370 = tpu.memref_squeeze %dma_wait3A_369 : memref<1x16x1024xf32, #tpu.memory_space<vmem>> -> memref<16x1024xf32, #tpu.memory_space<vmem>>
        tpu.wait_dma2 semaphore(%arg13 : memref<!tpu.dma_semaphore, #tpu.memory_space<semaphore_mem>>) src(%dma_wait3A_370 : memref<16x1024xf32, #tpu.memory_space<vmem>>) dst(%dma_wait3A_366 : memref<16x1024xf32, #tpu.memory_space<hbm>>)
      } else {
      }
      %lt3A_164 = arith.constant 64 : i32
      %lt3A_165 = arith.cmpi slt, %add3A_158, %lt3A_164 : i32
      %convert_element_type3A_166 = arith.extui %lt3A_165 : i1 to i32
      %cond3A_167 = arith.constant 0 : i32
      %cond3A_168 = arith.cmpi ne, %convert_element_type3A_166, %cond3A_167 : i32
      scf.if %cond3A_168 {
        %jit3A_338 = arith.constant 4 : i32
        %eq3A_339 = arith.constant 0 : i32
        %eq3A_340 = arith.cmpi eq, %jit3A_338, %eq3A_339 : i32
        %jit3A_341 = arith.constant 1 : i32
        %select_n3A_342 = arith.select %eq3A_340, %jit3A_341, %jit3A_338 : i32
        %rem3A_343 = arith.remsi %add3A_158, %select_n3A_342 : i32
        %ne3A_344 = arith.constant 0 : i32
        %ne3A_345 = arith.cmpi ne, %rem3A_343, %ne3A_344 : i32
        %lt3A_346 = arith.constant 0 : i32
        %lt3A_347 = arith.cmpi slt, %rem3A_343, %lt3A_346 : i32
        %lt3A_348 = arith.constant 0 : i32
        %lt3A_349 = arith.cmpi slt, %select_n3A_342, %lt3A_348 : i32
        %ne3A_350 = arith.xori %lt3A_347, %lt3A_349 : i1
        %and3A_351 = arith.andi %ne3A_350, %ne3A_345 : i1
        %add3A_352 = arith.addi %rem3A_343, %select_n3A_342 : i32
        %select_n3A_353 = arith.select %and3A_351, %add3A_352, %rem3A_343 : i32
        %mul3A_354 = arith.constant 16 : i32
        %mul3A_355 = arith.muli %add3A_158, %mul3A_354 : i32
        %multiple_of3A_356 = tpu.assume_multiple %mul3A_355, 8 : i32
        %dma_start3A_357 = arith.constant 0 : i32
        %dma_start3A_358 = arith.constant 0 : i32
        %dma_start3A_359 = tpu.memref_slice %arg11[%select_n3A_353, %dma_start3A_357, %dma_start3A_358] : memref<4x16x1024xf32, #tpu.memory_space<vmem>> -> memref<1x16x1024xf32, #tpu.memory_space<vmem>>
        %dma_start3A_360 = tpu.memref_squeeze %dma_start3A_359 : memref<1x16x1024xf32, #tpu.memory_space<vmem>> -> memref<16x1024xf32, #tpu.memory_space<vmem>>
        %dma_start3A_361 = tpu.memref_slice %arg8[%multiple_of3A_356] : memref<1024xi32, #tpu.memory_space<vmem>> -> memref<16xi32, #tpu.memory_space<vmem>>
        %dma_start3A_362 = arith.constant 0 : i32
        %dma_start3A_363 = arith.constant 0 : i32
        %dma_start3A_364 = tpu.memref_slice %arg4[%dma_start3A_362, %dma_start3A_363] : memref<100000x1024xf32, #tpu.memory_space<hbm>> -> memref<100000x1024xf32, #tpu.memory_space<hbm>>
        tpu.enqueue_indirect_dma source(%dma_start3A_364 : memref<100000x1024xf32, #tpu.memory_space<hbm>>) target(%dma_start3A_360 : memref<16x1024xf32, #tpu.memory_space<vmem>>) offsets(%dma_start3A_361 : memref<16xi32, #tpu.memory_space<vmem>>) semaphore(%arg12 : memref<!tpu.dma_semaphore, #tpu.memory_space<semaphore_mem>>)
      } else {
      }
      %mul3A_169 = arith.constant 16 : i32
      %mul3A_170 = arith.muli %add3A_156, %mul3A_169 : i32
      %multiple_of3A_171 = tpu.assume_multiple %mul3A_170, 8 : i32
      %dma_wait3A_172 = arith.constant 0 : i32
      %dma_wait3A_173 = arith.constant 0 : i32
      %dma_wait3A_174 = arith.constant 0 : i32
      %dma_wait3A_175 = tpu.memref_slice %arg11[%dma_wait3A_172, %dma_wait3A_173, %dma_wait3A_174] : memref<4x16x1024xf32, #tpu.memory_space<vmem>> -> memref<1x16x1024xf32, #tpu.memory_space<vmem>>
      %dma_wait3A_176 = tpu.memref_squeeze %dma_wait3A_175 : memref<1x16x1024xf32, #tpu.memory_space<vmem>> -> memref<16x1024xf32, #tpu.memory_space<vmem>>
      %dma_wait3A_177 = tpu.memref_slice %arg8[%multiple_of3A_171] : memref<1024xi32, #tpu.memory_space<vmem>> -> memref<16xi32, #tpu.memory_space<vmem>>
      %dma_wait3A_178 = arith.constant 0 : i32
      %dma_wait3A_179 = arith.constant 0 : i32
      %dma_wait3A_180 = tpu.memref_slice %arg4[%dma_wait3A_178, %dma_wait3A_179] : memref<100000x1024xf32, #tpu.memory_space<hbm>> -> memref<100000x1024xf32, #tpu.memory_space<hbm>>
      tpu.wait_indirect_dma semaphore(%arg12 : memref<!tpu.dma_semaphore, #tpu.memory_space<semaphore_mem>>) src(%dma_wait3A_180 : memref<100000x1024xf32, #tpu.memory_space<hbm>>) dst(%dma_wait3A_176 : memref<16x1024xf32, #tpu.memory_space<vmem>>)
      %mul3A_181 = arith.constant 16 : i32
      %mul3A_182 = arith.muli %add3A_156, %mul3A_181 : i32
      %add3A_183 = arith.addi %mul3A_2, %mul3A_182 : i32
      %dma_start3A_184 = arith.constant 0 : i32
      %dma_start3A_185 = arith.constant 0 : i32
      %dma_start3A_186 = arith.constant 0 : i32
      %dma_start3A_187 = tpu.memref_slice %arg11[%dma_start3A_184, %dma_start3A_185, %dma_start3A_186] : memref<4x16x1024xf32, #tpu.memory_space<vmem>> -> memref<1x16x1024xf32, #tpu.memory_space<vmem>>
      %dma_start3A_188 = tpu.memref_squeeze %dma_start3A_187 : memref<1x16x1024xf32, #tpu.memory_space<vmem>> -> memref<16x1024xf32, #tpu.memory_space<vmem>>
      %dma_start3A_189 = arith.constant 0 : i32
      %dma_start3A_190 = tpu.memref_slice %arg5[%add3A_183, %dma_start3A_189] : memref<32768x1024xf32, #tpu.memory_space<hbm>> -> memref<16x1024xf32, #tpu.memory_space<hbm>>
      %dma_start3A_191 = arith.constant 0 : i32
      %dma_start3A_192 = tpu.memref_slice %arg5[%add3A_183, %dma_start3A_191] : memref<32768x1024xf32, #tpu.memory_space<hbm>> -> memref<16x1024xf32, #tpu.memory_space<hbm>>
      %dma_start3A_193 = arith.constant 0 : i32
      %dma_start3A_194 = arith.constant 0 : i32
      %dma_start3A_195 = tpu.memref_slice %arg11[%dma_start3A_184, %dma_start3A_193, %dma_start3A_194] : memref<4x16x1024xf32, #tpu.memory_space<vmem>> -> memref<1x16x1024xf32, #tpu.memory_space<vmem>>
      %dma_start3A_196 = tpu.memref_squeeze %dma_start3A_195 : memref<1x16x1024xf32, #tpu.memory_space<vmem>> -> memref<16x1024xf32, #tpu.memory_space<vmem>>
      tpu.enqueue_dma source(%dma_start3A_196 : memref<16x1024xf32, #tpu.memory_space<vmem>>) target(%dma_start3A_192 : memref<16x1024xf32, #tpu.memory_space<hbm>>) target_semaphore(%arg13 : memref<!tpu.dma_semaphore, #tpu.memory_space<semaphore_mem>>)
      %mul3A_197 = arith.constant 4 : i32
      %mul3A_198 = arith.muli %mul3A_197, %scan3A_152 : i32
      %add3A_199 = arith.constant 1 : i32
      %add3A_200 = arith.addi %mul3A_198, %add3A_199 : i32
      %add3A_201 = arith.constant 3 : i32
      %add3A_202 = arith.addi %add3A_200, %add3A_201 : i32
      %lt3A_203 = arith.constant 64 : i32
      %lt3A_204 = arith.cmpi slt, %add3A_202, %lt3A_203 : i32
      %ge3A_205 = arith.constant 4 : i32
      %ge3A_206 = arith.cmpi sge, %add3A_202, %ge3A_205 : i32
      %and3A_207 = arith.andi %lt3A_204, %ge3A_206 : i1
      %convert_element_type3A_208 = arith.extui %and3A_207 : i1 to i32
      %cond3A_209 = arith.constant 0 : i32
      %cond3A_210 = arith.cmpi ne, %convert_element_type3A_208, %cond3A_209 : i32
      scf.if %cond3A_210 {
        %sub3A_338 = arith.constant 4 : i32
        %sub3A_339 = arith.subi %add3A_202, %sub3A_338 : i32
        %jit3A_340 = arith.constant 4 : i32
        %eq3A_341 = arith.constant 0 : i32
        %eq3A_342 = arith.cmpi eq, %jit3A_340, %eq3A_341 : i32
        %jit3A_343 = arith.constant 1 : i32
        %select_n3A_344 = arith.select %eq3A_342, %jit3A_343, %jit3A_340 : i32
        %rem3A_345 = arith.remsi %add3A_202, %select_n3A_344 : i32
        %ne3A_346 = arith.constant 0 : i32
        %ne3A_347 = arith.cmpi ne, %rem3A_345, %ne3A_346 : i32
        %lt3A_348 = arith.constant 0 : i32
        %lt3A_349 = arith.cmpi slt, %rem3A_345, %lt3A_348 : i32
        %lt3A_350 = arith.constant 0 : i32
        %lt3A_351 = arith.cmpi slt, %select_n3A_344, %lt3A_350 : i32
        %ne3A_352 = arith.xori %lt3A_349, %lt3A_351 : i1
        %and3A_353 = arith.andi %ne3A_352, %ne3A_347 : i1
        %add3A_354 = arith.addi %rem3A_345, %select_n3A_344 : i32
        %select_n3A_355 = arith.select %and3A_353, %add3A_354, %rem3A_345 : i32
        %mul3A_356 = arith.constant 16 : i32
        %mul3A_357 = arith.muli %sub3A_339, %mul3A_356 : i32
        %add3A_358 = arith.addi %mul3A_2, %mul3A_357 : i32
        %dma_wait3A_359 = arith.constant 0 : i32
        %dma_wait3A_360 = arith.constant 0 : i32
        %dma_wait3A_361 = tpu.memref_slice %arg11[%select_n3A_355, %dma_wait3A_359, %dma_wait3A_360] : memref<4x16x1024xf32, #tpu.memory_space<vmem>> -> memref<1x16x1024xf32, #tpu.memory_space<vmem>>
        %dma_wait3A_362 = tpu.memref_squeeze %dma_wait3A_361 : memref<1x16x1024xf32, #tpu.memory_space<vmem>> -> memref<16x1024xf32, #tpu.memory_space<vmem>>
        %dma_wait3A_363 = arith.constant 0 : i32
        %dma_wait3A_364 = tpu.memref_slice %arg5[%add3A_358, %dma_wait3A_363] : memref<32768x1024xf32, #tpu.memory_space<hbm>> -> memref<16x1024xf32, #tpu.memory_space<hbm>>
        %dma_wait3A_365 = arith.constant 0 : i32
        %dma_wait3A_366 = tpu.memref_slice %arg5[%add3A_358, %dma_wait3A_365] : memref<32768x1024xf32, #tpu.memory_space<hbm>> -> memref<16x1024xf32, #tpu.memory_space<hbm>>
        %dma_wait3A_367 = arith.constant 0 : i32
        %dma_wait3A_368 = arith.constant 0 : i32
        %dma_wait3A_369 = tpu.memref_slice %arg11[%select_n3A_355, %dma_wait3A_367, %dma_wait3A_368] : memref<4x16x1024xf32, #tpu.memory_space<vmem>> -> memref<1x16x1024xf32, #tpu.memory_space<vmem>>
        %dma_wait3A_370 = tpu.memref_squeeze %dma_wait3A_369 : memref<1x16x1024xf32, #tpu.memory_space<vmem>> -> memref<16x1024xf32, #tpu.memory_space<vmem>>
        tpu.wait_dma2 semaphore(%arg13 : memref<!tpu.dma_semaphore, #tpu.memory_space<semaphore_mem>>) src(%dma_wait3A_370 : memref<16x1024xf32, #tpu.memory_space<vmem>>) dst(%dma_wait3A_366 : memref<16x1024xf32, #tpu.memory_space<hbm>>)
      } else {
      }
      %lt3A_211 = arith.constant 64 : i32
      %lt3A_212 = arith.cmpi slt, %add3A_202, %lt3A_211 : i32
      %convert_element_type3A_213 = arith.extui %lt3A_212 : i1 to i32
      %cond3A_214 = arith.constant 0 : i32
      %cond3A_215 = arith.cmpi ne, %convert_element_type3A_213, %cond3A_214 : i32
      scf.if %cond3A_215 {
        %jit3A_338 = arith.constant 4 : i32
        %eq3A_339 = arith.constant 0 : i32
        %eq3A_340 = arith.cmpi eq, %jit3A_338, %eq3A_339 : i32
        %jit3A_341 = arith.constant 1 : i32
        %select_n3A_342 = arith.select %eq3A_340, %jit3A_341, %jit3A_338 : i32
        %rem3A_343 = arith.remsi %add3A_202, %select_n3A_342 : i32
        %ne3A_344 = arith.constant 0 : i32
        %ne3A_345 = arith.cmpi ne, %rem3A_343, %ne3A_344 : i32
        %lt3A_346 = arith.constant 0 : i32
        %lt3A_347 = arith.cmpi slt, %rem3A_343, %lt3A_346 : i32
        %lt3A_348 = arith.constant 0 : i32
        %lt3A_349 = arith.cmpi slt, %select_n3A_342, %lt3A_348 : i32
        %ne3A_350 = arith.xori %lt3A_347, %lt3A_349 : i1
        %and3A_351 = arith.andi %ne3A_350, %ne3A_345 : i1
        %add3A_352 = arith.addi %rem3A_343, %select_n3A_342 : i32
        %select_n3A_353 = arith.select %and3A_351, %add3A_352, %rem3A_343 : i32
        %mul3A_354 = arith.constant 16 : i32
        %mul3A_355 = arith.muli %add3A_202, %mul3A_354 : i32
        %multiple_of3A_356 = tpu.assume_multiple %mul3A_355, 8 : i32
        %dma_start3A_357 = arith.constant 0 : i32
        %dma_start3A_358 = arith.constant 0 : i32
        %dma_start3A_359 = tpu.memref_slice %arg11[%select_n3A_353, %dma_start3A_357, %dma_start3A_358] : memref<4x16x1024xf32, #tpu.memory_space<vmem>> -> memref<1x16x1024xf32, #tpu.memory_space<vmem>>
        %dma_start3A_360 = tpu.memref_squeeze %dma_start3A_359 : memref<1x16x1024xf32, #tpu.memory_space<vmem>> -> memref<16x1024xf32, #tpu.memory_space<vmem>>
        %dma_start3A_361 = tpu.memref_slice %arg8[%multiple_of3A_356] : memref<1024xi32, #tpu.memory_space<vmem>> -> memref<16xi32, #tpu.memory_space<vmem>>
        %dma_start3A_362 = arith.constant 0 : i32
        %dma_start3A_363 = arith.constant 0 : i32
        %dma_start3A_364 = tpu.memref_slice %arg4[%dma_start3A_362, %dma_start3A_363] : memref<100000x1024xf32, #tpu.memory_space<hbm>> -> memref<100000x1024xf32, #tpu.memory_space<hbm>>
        tpu.enqueue_indirect_dma source(%dma_start3A_364 : memref<100000x1024xf32, #tpu.memory_space<hbm>>) target(%dma_start3A_360 : memref<16x1024xf32, #tpu.memory_space<vmem>>) offsets(%dma_start3A_361 : memref<16xi32, #tpu.memory_space<vmem>>) semaphore(%arg12 : memref<!tpu.dma_semaphore, #tpu.memory_space<semaphore_mem>>)
      } else {
      }
      %mul3A_216 = arith.constant 16 : i32
      %mul3A_217 = arith.muli %add3A_200, %mul3A_216 : i32
      %multiple_of3A_218 = tpu.assume_multiple %mul3A_217, 8 : i32
      %dma_wait3A_219 = arith.constant 1 : i32
      %dma_wait3A_220 = arith.constant 0 : i32
      %dma_wait3A_221 = arith.constant 0 : i32
      %dma_wait3A_222 = tpu.memref_slice %arg11[%dma_wait3A_219, %dma_wait3A_220, %dma_wait3A_221] : memref<4x16x1024xf32, #tpu.memory_space<vmem>> -> memref<1x16x1024xf32, #tpu.memory_space<vmem>>
      %dma_wait3A_223 = tpu.memref_squeeze %dma_wait3A_222 : memref<1x16x1024xf32, #tpu.memory_space<vmem>> -> memref<16x1024xf32, #tpu.memory_space<vmem>>
      %dma_wait3A_224 = tpu.memref_slice %arg8[%multiple_of3A_218] : memref<1024xi32, #tpu.memory_space<vmem>> -> memref<16xi32, #tpu.memory_space<vmem>>
      %dma_wait3A_225 = arith.constant 0 : i32
      %dma_wait3A_226 = arith.constant 0 : i32
      %dma_wait3A_227 = tpu.memref_slice %arg4[%dma_wait3A_225, %dma_wait3A_226] : memref<100000x1024xf32, #tpu.memory_space<hbm>> -> memref<100000x1024xf32, #tpu.memory_space<hbm>>
      tpu.wait_indirect_dma semaphore(%arg12 : memref<!tpu.dma_semaphore, #tpu.memory_space<semaphore_mem>>) src(%dma_wait3A_227 : memref<100000x1024xf32, #tpu.memory_space<hbm>>) dst(%dma_wait3A_223 : memref<16x1024xf32, #tpu.memory_space<vmem>>)
      %mul3A_228 = arith.constant 16 : i32
      %mul3A_229 = arith.muli %add3A_200, %mul3A_228 : i32
      %add3A_230 = arith.addi %mul3A_2, %mul3A_229 : i32
      %dma_start3A_231 = arith.constant 1 : i32
      %dma_start3A_232 = arith.constant 0 : i32
      %dma_start3A_233 = arith.constant 0 : i32
      %dma_start3A_234 = tpu.memref_slice %arg11[%dma_start3A_231, %dma_start3A_232, %dma_start3A_233] : memref<4x16x1024xf32, #tpu.memory_space<vmem>> -> memref<1x16x1024xf32, #tpu.memory_space<vmem>>
      %dma_start3A_235 = tpu.memref_squeeze %dma_start3A_234 : memref<1x16x1024xf32, #tpu.memory_space<vmem>> -> memref<16x1024xf32, #tpu.memory_space<vmem>>
      %dma_start3A_236 = arith.constant 0 : i32
      %dma_start3A_237 = tpu.memref_slice %arg5[%add3A_230, %dma_start3A_236] : memref<32768x1024xf32, #tpu.memory_space<hbm>> -> memref<16x1024xf32, #tpu.memory_space<hbm>>
      %dma_start3A_238 = arith.constant 0 : i32
      %dma_start3A_239 = tpu.memref_slice %arg5[%add3A_230, %dma_start3A_238] : memref<32768x1024xf32, #tpu.memory_space<hbm>> -> memref<16x1024xf32, #tpu.memory_space<hbm>>
      %dma_start3A_240 = arith.constant 0 : i32
      %dma_start3A_241 = arith.constant 0 : i32
      %dma_start3A_242 = tpu.memref_slice %arg11[%dma_start3A_231, %dma_start3A_240, %dma_start3A_241] : memref<4x16x1024xf32, #tpu.memory_space<vmem>> -> memref<1x16x1024xf32, #tpu.memory_space<vmem>>
      %dma_start3A_243 = tpu.memref_squeeze %dma_start3A_242 : memref<1x16x1024xf32, #tpu.memory_space<vmem>> -> memref<16x1024xf32, #tpu.memory_space<vmem>>
      tpu.enqueue_dma source(%dma_start3A_243 : memref<16x1024xf32, #tpu.memory_space<vmem>>) target(%dma_start3A_239 : memref<16x1024xf32, #tpu.memory_space<hbm>>) target_semaphore(%arg13 : memref<!tpu.dma_semaphore, #tpu.memory_space<semaphore_mem>>)
      %mul3A_244 = arith.constant 4 : i32
      %mul3A_245 = arith.muli %mul3A_244, %scan3A_152 : i32
      %add3A_246 = arith.constant 2 : i32
      %add3A_247 = arith.addi %mul3A_245, %add3A_246 : i32
      %add3A_248 = arith.constant 3 : i32
      %add3A_249 = arith.addi %add3A_247, %add3A_248 : i32
      %lt3A_250 = arith.constant 64 : i32
      %lt3A_251 = arith.cmpi slt, %add3A_249, %lt3A_250 : i32
      %ge3A_252 = arith.constant 4 : i32
      %ge3A_253 = arith.cmpi sge, %add3A_249, %ge3A_252 : i32
      %and3A_254 = arith.andi %lt3A_251, %ge3A_253 : i1
      %convert_element_type3A_255 = arith.extui %and3A_254 : i1 to i32
      %cond3A_256 = arith.constant 0 : i32
      %cond3A_257 = arith.cmpi ne, %convert_element_type3A_255, %cond3A_256 : i32
      scf.if %cond3A_257 {
        %sub3A_338 = arith.constant 4 : i32
        %sub3A_339 = arith.subi %add3A_249, %sub3A_338 : i32
        %jit3A_340 = arith.constant 4 : i32
        %eq3A_341 = arith.constant 0 : i32
        %eq3A_342 = arith.cmpi eq, %jit3A_340, %eq3A_341 : i32
        %jit3A_343 = arith.constant 1 : i32
        %select_n3A_344 = arith.select %eq3A_342, %jit3A_343, %jit3A_340 : i32
        %rem3A_345 = arith.remsi %add3A_249, %select_n3A_344 : i32
        %ne3A_346 = arith.constant 0 : i32
        %ne3A_347 = arith.cmpi ne, %rem3A_345, %ne3A_346 : i32
        %lt3A_348 = arith.constant 0 : i32
        %lt3A_349 = arith.cmpi slt, %rem3A_345, %lt3A_348 : i32
        %lt3A_350 = arith.constant 0 : i32
        %lt3A_351 = arith.cmpi slt, %select_n3A_344, %lt3A_350 : i32
        %ne3A_352 = arith.xori %lt3A_349, %lt3A_351 : i1
        %and3A_353 = arith.andi %ne3A_352, %ne3A_347 : i1
        %add3A_354 = arith.addi %rem3A_345, %select_n3A_344 : i32
        %select_n3A_355 = arith.select %and3A_353, %add3A_354, %rem3A_345 : i32
        %mul3A_356 = arith.constant 16 : i32
        %mul3A_357 = arith.muli %sub3A_339, %mul3A_356 : i32
        %add3A_358 = arith.addi %mul3A_2, %mul3A_357 : i32
        %dma_wait3A_359 = arith.constant 0 : i32
        %dma_wait3A_360 = arith.constant 0 : i32
        %dma_wait3A_361 = tpu.memref_slice %arg11[%select_n3A_355, %dma_wait3A_359, %dma_wait3A_360] : memref<4x16x1024xf32, #tpu.memory_space<vmem>> -> memref<1x16x1024xf32, #tpu.memory_space<vmem>>
        %dma_wait3A_362 = tpu.memref_squeeze %dma_wait3A_361 : memref<1x16x1024xf32, #tpu.memory_space<vmem>> -> memref<16x1024xf32, #tpu.memory_space<vmem>>
        %dma_wait3A_363 = arith.constant 0 : i32
        %dma_wait3A_364 = tpu.memref_slice %arg5[%add3A_358, %dma_wait3A_363] : memref<32768x1024xf32, #tpu.memory_space<hbm>> -> memref<16x1024xf32, #tpu.memory_space<hbm>>
        %dma_wait3A_365 = arith.constant 0 : i32
        %dma_wait3A_366 = tpu.memref_slice %arg5[%add3A_358, %dma_wait3A_365] : memref<32768x1024xf32, #tpu.memory_space<hbm>> -> memref<16x1024xf32, #tpu.memory_space<hbm>>
        %dma_wait3A_367 = arith.constant 0 : i32
        %dma_wait3A_368 = arith.constant 0 : i32
        %dma_wait3A_369 = tpu.memref_slice %arg11[%select_n3A_355, %dma_wait3A_367, %dma_wait3A_368] : memref<4x16x1024xf32, #tpu.memory_space<vmem>> -> memref<1x16x1024xf32, #tpu.memory_space<vmem>>
        %dma_wait3A_370 = tpu.memref_squeeze %dma_wait3A_369 : memref<1x16x1024xf32, #tpu.memory_space<vmem>> -> memref<16x1024xf32, #tpu.memory_space<vmem>>
        tpu.wait_dma2 semaphore(%arg13 : memref<!tpu.dma_semaphore, #tpu.memory_space<semaphore_mem>>) src(%dma_wait3A_370 : memref<16x1024xf32, #tpu.memory_space<vmem>>) dst(%dma_wait3A_366 : memref<16x1024xf32, #tpu.memory_space<hbm>>)
      } else {
      }
      %lt3A_258 = arith.constant 64 : i32
      %lt3A_259 = arith.cmpi slt, %add3A_249, %lt3A_258 : i32
      %convert_element_type3A_260 = arith.extui %lt3A_259 : i1 to i32
      %cond3A_261 = arith.constant 0 : i32
      %cond3A_262 = arith.cmpi ne, %convert_element_type3A_260, %cond3A_261 : i32
      scf.if %cond3A_262 {
        %jit3A_338 = arith.constant 4 : i32
        %eq3A_339 = arith.constant 0 : i32
        %eq3A_340 = arith.cmpi eq, %jit3A_338, %eq3A_339 : i32
        %jit3A_341 = arith.constant 1 : i32
        %select_n3A_342 = arith.select %eq3A_340, %jit3A_341, %jit3A_338 : i32
        %rem3A_343 = arith.remsi %add3A_249, %select_n3A_342 : i32
        %ne3A_344 = arith.constant 0 : i32
        %ne3A_345 = arith.cmpi ne, %rem3A_343, %ne3A_344 : i32
        %lt3A_346 = arith.constant 0 : i32
        %lt3A_347 = arith.cmpi slt, %rem3A_343, %lt3A_346 : i32
        %lt3A_348 = arith.constant 0 : i32
        %lt3A_349 = arith.cmpi slt, %select_n3A_342, %lt3A_348 : i32
        %ne3A_350 = arith.xori %lt3A_347, %lt3A_349 : i1
        %and3A_351 = arith.andi %ne3A_350, %ne3A_345 : i1
        %add3A_352 = arith.addi %rem3A_343, %select_n3A_342 : i32
        %select_n3A_353 = arith.select %and3A_351, %add3A_352, %rem3A_343 : i32
        %mul3A_354 = arith.constant 16 : i32
        %mul3A_355 = arith.muli %add3A_249, %mul3A_354 : i32
        %multiple_of3A_356 = tpu.assume_multiple %mul3A_355, 8 : i32
        %dma_start3A_357 = arith.constant 0 : i32
        %dma_start3A_358 = arith.constant 0 : i32
        %dma_start3A_359 = tpu.memref_slice %arg11[%select_n3A_353, %dma_start3A_357, %dma_start3A_358] : memref<4x16x1024xf32, #tpu.memory_space<vmem>> -> memref<1x16x1024xf32, #tpu.memory_space<vmem>>
        %dma_start3A_360 = tpu.memref_squeeze %dma_start3A_359 : memref<1x16x1024xf32, #tpu.memory_space<vmem>> -> memref<16x1024xf32, #tpu.memory_space<vmem>>
        %dma_start3A_361 = tpu.memref_slice %arg8[%multiple_of3A_356] : memref<1024xi32, #tpu.memory_space<vmem>> -> memref<16xi32, #tpu.memory_space<vmem>>
        %dma_start3A_362 = arith.constant 0 : i32
        %dma_start3A_363 = arith.constant 0 : i32
        %dma_start3A_364 = tpu.memref_slice %arg4[%dma_start3A_362, %dma_start3A_363] : memref<100000x1024xf32, #tpu.memory_space<hbm>> -> memref<100000x1024xf32, #tpu.memory_space<hbm>>
        tpu.enqueue_indirect_dma source(%dma_start3A_364 : memref<100000x1024xf32, #tpu.memory_space<hbm>>) target(%dma_start3A_360 : memref<16x1024xf32, #tpu.memory_space<vmem>>) offsets(%dma_start3A_361 : memref<16xi32, #tpu.memory_space<vmem>>) semaphore(%arg12 : memref<!tpu.dma_semaphore, #tpu.memory_space<semaphore_mem>>)
      } else {
      }
      %mul3A_263 = arith.constant 16 : i32
      %mul3A_264 = arith.muli %add3A_247, %mul3A_263 : i32
      %multiple_of3A_265 = tpu.assume_multiple %mul3A_264, 8 : i32
      %dma_wait3A_266 = arith.constant 2 : i32
      %dma_wait3A_267 = arith.constant 0 : i32
      %dma_wait3A_268 = arith.constant 0 : i32
      %dma_wait3A_269 = tpu.memref_slice %arg11[%dma_wait3A_266, %dma_wait3A_267, %dma_wait3A_268] : memref<4x16x1024xf32, #tpu.memory_space<vmem>> -> memref<1x16x1024xf32, #tpu.memory_space<vmem>>
      %dma_wait3A_270 = tpu.memref_squeeze %dma_wait3A_269 : memref<1x16x1024xf32, #tpu.memory_space<vmem>> -> memref<16x1024xf32, #tpu.memory_space<vmem>>
      %dma_wait3A_271 = tpu.memref_slice %arg8[%multiple_of3A_265] : memref<1024xi32, #tpu.memory_space<vmem>> -> memref<16xi32, #tpu.memory_space<vmem>>
      %dma_wait3A_272 = arith.constant 0 : i32
      %dma_wait3A_273 = arith.constant 0 : i32
      %dma_wait3A_274 = tpu.memref_slice %arg4[%dma_wait3A_272, %dma_wait3A_273] : memref<100000x1024xf32, #tpu.memory_space<hbm>> -> memref<100000x1024xf32, #tpu.memory_space<hbm>>
      tpu.wait_indirect_dma semaphore(%arg12 : memref<!tpu.dma_semaphore, #tpu.memory_space<semaphore_mem>>) src(%dma_wait3A_274 : memref<100000x1024xf32, #tpu.memory_space<hbm>>) dst(%dma_wait3A_270 : memref<16x1024xf32, #tpu.memory_space<vmem>>)
      %mul3A_275 = arith.constant 16 : i32
      %mul3A_276 = arith.muli %add3A_247, %mul3A_275 : i32
      %add3A_277 = arith.addi %mul3A_2, %mul3A_276 : i32
      %dma_start3A_278 = arith.constant 2 : i32
      %dma_start3A_279 = arith.constant 0 : i32
      %dma_start3A_280 = arith.constant 0 : i32
      %dma_start3A_281 = tpu.memref_slice %arg11[%dma_start3A_278, %dma_start3A_279, %dma_start3A_280] : memref<4x16x1024xf32, #tpu.memory_space<vmem>> -> memref<1x16x1024xf32, #tpu.memory_space<vmem>>
      %dma_start3A_282 = tpu.memref_squeeze %dma_start3A_281 : memref<1x16x1024xf32, #tpu.memory_space<vmem>> -> memref<16x1024xf32, #tpu.memory_space<vmem>>
      %dma_start3A_283 = arith.constant 0 : i32
      %dma_start3A_284 = tpu.memref_slice %arg5[%add3A_277, %dma_start3A_283] : memref<32768x1024xf32, #tpu.memory_space<hbm>> -> memref<16x1024xf32, #tpu.memory_space<hbm>>
      %dma_start3A_285 = arith.constant 0 : i32
      %dma_start3A_286 = tpu.memref_slice %arg5[%add3A_277, %dma_start3A_285] : memref<32768x1024xf32, #tpu.memory_space<hbm>> -> memref<16x1024xf32, #tpu.memory_space<hbm>>
      %dma_start3A_287 = arith.constant 0 : i32
      %dma_start3A_288 = arith.constant 0 : i32
      %dma_start3A_289 = tpu.memref_slice %arg11[%dma_start3A_278, %dma_start3A_287, %dma_start3A_288] : memref<4x16x1024xf32, #tpu.memory_space<vmem>> -> memref<1x16x1024xf32, #tpu.memory_space<vmem>>
      %dma_start3A_290 = tpu.memref_squeeze %dma_start3A_289 : memref<1x16x1024xf32, #tpu.memory_space<vmem>> -> memref<16x1024xf32, #tpu.memory_space<vmem>>
      tpu.enqueue_dma source(%dma_start3A_290 : memref<16x1024xf32, #tpu.memory_space<vmem>>) target(%dma_start3A_286 : memref<16x1024xf32, #tpu.memory_space<hbm>>) target_semaphore(%arg13 : memref<!tpu.dma_semaphore, #tpu.memory_space<semaphore_mem>>)
      %mul3A_291 = arith.constant 4 : i32
      %mul3A_292 = arith.muli %mul3A_291, %scan3A_152 : i32
      %add3A_293 = arith.constant 3 : i32
      %add3A_294 = arith.addi %mul3A_292, %add3A_293 : i32
      %add3A_295 = arith.constant 3 : i32
      %add3A_296 = arith.addi %add3A_294, %add3A_295 : i32
      %lt3A_297 = arith.constant 64 : i32
      %lt3A_298 = arith.cmpi slt, %add3A_296, %lt3A_297 : i32
      %ge3A_299 = arith.constant 4 : i32
      %ge3A_300 = arith.cmpi sge, %add3A_296, %ge3A_299 : i32
      %and3A_301 = arith.andi %lt3A_298, %ge3A_300 : i1
      %convert_element_type3A_302 = arith.extui %and3A_301 : i1 to i32
      %cond3A_303 = arith.constant 0 : i32
      %cond3A_304 = arith.cmpi ne, %convert_element_type3A_302, %cond3A_303 : i32
      scf.if %cond3A_304 {
        %sub3A_338 = arith.constant 4 : i32
        %sub3A_339 = arith.subi %add3A_296, %sub3A_338 : i32
        %jit3A_340 = arith.constant 4 : i32
        %eq3A_341 = arith.constant 0 : i32
        %eq3A_342 = arith.cmpi eq, %jit3A_340, %eq3A_341 : i32
        %jit3A_343 = arith.constant 1 : i32
        %select_n3A_344 = arith.select %eq3A_342, %jit3A_343, %jit3A_340 : i32
        %rem3A_345 = arith.remsi %add3A_296, %select_n3A_344 : i32
        %ne3A_346 = arith.constant 0 : i32
        %ne3A_347 = arith.cmpi ne, %rem3A_345, %ne3A_346 : i32
        %lt3A_348 = arith.constant 0 : i32
        %lt3A_349 = arith.cmpi slt, %rem3A_345, %lt3A_348 : i32
        %lt3A_350 = arith.constant 0 : i32
        %lt3A_351 = arith.cmpi slt, %select_n3A_344, %lt3A_350 : i32
        %ne3A_352 = arith.xori %lt3A_349, %lt3A_351 : i1
        %and3A_353 = arith.andi %ne3A_352, %ne3A_347 : i1
        %add3A_354 = arith.addi %rem3A_345, %select_n3A_344 : i32
        %select_n3A_355 = arith.select %and3A_353, %add3A_354, %rem3A_345 : i32
        %mul3A_356 = arith.constant 16 : i32
        %mul3A_357 = arith.muli %sub3A_339, %mul3A_356 : i32
        %add3A_358 = arith.addi %mul3A_2, %mul3A_357 : i32
        %dma_wait3A_359 = arith.constant 0 : i32
        %dma_wait3A_360 = arith.constant 0 : i32
        %dma_wait3A_361 = tpu.memref_slice %arg11[%select_n3A_355, %dma_wait3A_359, %dma_wait3A_360] : memref<4x16x1024xf32, #tpu.memory_space<vmem>> -> memref<1x16x1024xf32, #tpu.memory_space<vmem>>
        %dma_wait3A_362 = tpu.memref_squeeze %dma_wait3A_361 : memref<1x16x1024xf32, #tpu.memory_space<vmem>> -> memref<16x1024xf32, #tpu.memory_space<vmem>>
        %dma_wait3A_363 = arith.constant 0 : i32
        %dma_wait3A_364 = tpu.memref_slice %arg5[%add3A_358, %dma_wait3A_363] : memref<32768x1024xf32, #tpu.memory_space<hbm>> -> memref<16x1024xf32, #tpu.memory_space<hbm>>
        %dma_wait3A_365 = arith.constant 0 : i32
        %dma_wait3A_366 = tpu.memref_slice %arg5[%add3A_358, %dma_wait3A_365] : memref<32768x1024xf32, #tpu.memory_space<hbm>> -> memref<16x1024xf32, #tpu.memory_space<hbm>>
        %dma_wait3A_367 = arith.constant 0 : i32
        %dma_wait3A_368 = arith.constant 0 : i32
        %dma_wait3A_369 = tpu.memref_slice %arg11[%select_n3A_355, %dma_wait3A_367, %dma_wait3A_368] : memref<4x16x1024xf32, #tpu.memory_space<vmem>> -> memref<1x16x1024xf32, #tpu.memory_space<vmem>>
        %dma_wait3A_370 = tpu.memref_squeeze %dma_wait3A_369 : memref<1x16x1024xf32, #tpu.memory_space<vmem>> -> memref<16x1024xf32, #tpu.memory_space<vmem>>
        tpu.wait_dma2 semaphore(%arg13 : memref<!tpu.dma_semaphore, #tpu.memory_space<semaphore_mem>>) src(%dma_wait3A_370 : memref<16x1024xf32, #tpu.memory_space<vmem>>) dst(%dma_wait3A_366 : memref<16x1024xf32, #tpu.memory_space<hbm>>)
      } else {
      }
      %lt3A_305 = arith.constant 64 : i32
      %lt3A_306 = arith.cmpi slt, %add3A_296, %lt3A_305 : i32
      %convert_element_type3A_307 = arith.extui %lt3A_306 : i1 to i32
      %cond3A_308 = arith.constant 0 : i32
      %cond3A_309 = arith.cmpi ne, %convert_element_type3A_307, %cond3A_308 : i32
      scf.if %cond3A_309 {
        %jit3A_338 = arith.constant 4 : i32
        %eq3A_339 = arith.constant 0 : i32
        %eq3A_340 = arith.cmpi eq, %jit3A_338, %eq3A_339 : i32
        %jit3A_341 = arith.constant 1 : i32
        %select_n3A_342 = arith.select %eq3A_340, %jit3A_341, %jit3A_338 : i32
        %rem3A_343 = arith.remsi %add3A_296, %select_n3A_342 : i32
        %ne3A_344 = arith.constant 0 : i32
        %ne3A_345 = arith.cmpi ne, %rem3A_343, %ne3A_344 : i32
        %lt3A_346 = arith.constant 0 : i32
        %lt3A_347 = arith.cmpi slt, %rem3A_343, %lt3A_346 : i32
        %lt3A_348 = arith.constant 0 : i32
        %lt3A_349 = arith.cmpi slt, %select_n3A_342, %lt3A_348 : i32
        %ne3A_350 = arith.xori %lt3A_347, %lt3A_349 : i1
        %and3A_351 = arith.andi %ne3A_350, %ne3A_345 : i1
        %add3A_352 = arith.addi %rem3A_343, %select_n3A_342 : i32
        %select_n3A_353 = arith.select %and3A_351, %add3A_352, %rem3A_343 : i32
        %mul3A_354 = arith.constant 16 : i32
        %mul3A_355 = arith.muli %add3A_296, %mul3A_354 : i32
        %multiple_of3A_356 = tpu.assume_multiple %mul3A_355, 8 : i32
        %dma_start3A_357 = arith.constant 0 : i32
        %dma_start3A_358 = arith.constant 0 : i32
        %dma_start3A_359 = tpu.memref_slice %arg11[%select_n3A_353, %dma_start3A_357, %dma_start3A_358] : memref<4x16x1024xf32, #tpu.memory_space<vmem>> -> memref<1x16x1024xf32, #tpu.memory_space<vmem>>
        %dma_start3A_360 = tpu.memref_squeeze %dma_start3A_359 : memref<1x16x1024xf32, #tpu.memory_space<vmem>> -> memref<16x1024xf32, #tpu.memory_space<vmem>>
        %dma_start3A_361 = tpu.memref_slice %arg8[%multiple_of3A_356] : memref<1024xi32, #tpu.memory_space<vmem>> -> memref<16xi32, #tpu.memory_space<vmem>>
        %dma_start3A_362 = arith.constant 0 : i32
        %dma_start3A_363 = arith.constant 0 : i32
        %dma_start3A_364 = tpu.memref_slice %arg4[%dma_start3A_362, %dma_start3A_363] : memref<100000x1024xf32, #tpu.memory_space<hbm>> -> memref<100000x1024xf32, #tpu.memory_space<hbm>>
        tpu.enqueue_indirect_dma source(%dma_start3A_364 : memref<100000x1024xf32, #tpu.memory_space<hbm>>) target(%dma_start3A_360 : memref<16x1024xf32, #tpu.memory_space<vmem>>) offsets(%dma_start3A_361 : memref<16xi32, #tpu.memory_space<vmem>>) semaphore(%arg12 : memref<!tpu.dma_semaphore, #tpu.memory_space<semaphore_mem>>)
      } else {
      }
      %mul3A_310 = arith.constant 16 : i32
      %mul3A_311 = arith.muli %add3A_294, %mul3A_310 : i32
      %multiple_of3A_312 = tpu.assume_multiple %mul3A_311, 8 : i32
      %dma_wait3A_313 = arith.constant 3 : i32
      %dma_wait3A_314 = arith.constant 0 : i32
      %dma_wait3A_315 = arith.constant 0 : i32
      %dma_wait3A_316 = tpu.memref_slice %arg11[%dma_wait3A_313, %dma_wait3A_314, %dma_wait3A_315] : memref<4x16x1024xf32, #tpu.memory_space<vmem>> -> memref<1x16x1024xf32, #tpu.memory_space<vmem>>
      %dma_wait3A_317 = tpu.memref_squeeze %dma_wait3A_316 : memref<1x16x1024xf32, #tpu.memory_space<vmem>> -> memref<16x1024xf32, #tpu.memory_space<vmem>>
      %dma_wait3A_318 = tpu.memref_slice %arg8[%multiple_of3A_312] : memref<1024xi32, #tpu.memory_space<vmem>> -> memref<16xi32, #tpu.memory_space<vmem>>
      %dma_wait3A_319 = arith.constant 0 : i32
      %dma_wait3A_320 = arith.constant 0 : i32
      %dma_wait3A_321 = tpu.memref_slice %arg4[%dma_wait3A_319, %dma_wait3A_320] : memref<100000x1024xf32, #tpu.memory_space<hbm>> -> memref<100000x1024xf32, #tpu.memory_space<hbm>>
      tpu.wait_indirect_dma semaphore(%arg12 : memref<!tpu.dma_semaphore, #tpu.memory_space<semaphore_mem>>) src(%dma_wait3A_321 : memref<100000x1024xf32, #tpu.memory_space<hbm>>) dst(%dma_wait3A_317 : memref<16x1024xf32, #tpu.memory_space<vmem>>)
      %mul3A_322 = arith.constant 16 : i32
      %mul3A_323 = arith.muli %add3A_294, %mul3A_322 : i32
      %add3A_324 = arith.addi %mul3A_2, %mul3A_323 : i32
      %dma_start3A_325 = arith.constant 3 : i32
      %dma_start3A_326 = arith.constant 0 : i32
      %dma_start3A_327 = arith.constant 0 : i32
      %dma_start3A_328 = tpu.memref_slice %arg11[%dma_start3A_325, %dma_start3A_326, %dma_start3A_327] : memref<4x16x1024xf32, #tpu.memory_space<vmem>> -> memref<1x16x1024xf32, #tpu.memory_space<vmem>>
      %dma_start3A_329 = tpu.memref_squeeze %dma_start3A_328 : memref<1x16x1024xf32, #tpu.memory_space<vmem>> -> memref<16x1024xf32, #tpu.memory_space<vmem>>
      %dma_start3A_330 = arith.constant 0 : i32
      %dma_start3A_331 = tpu.memref_slice %arg5[%add3A_324, %dma_start3A_330] : memref<32768x1024xf32, #tpu.memory_space<hbm>> -> memref<16x1024xf32, #tpu.memory_space<hbm>>
      %dma_start3A_332 = arith.constant 0 : i32
      %dma_start3A_333 = tpu.memref_slice %arg5[%add3A_324, %dma_start3A_332] : memref<32768x1024xf32, #tpu.memory_space<hbm>> -> memref<16x1024xf32, #tpu.memory_space<hbm>>
      %dma_start3A_334 = arith.constant 0 : i32
      %dma_start3A_335 = arith.constant 0 : i32
      %dma_start3A_336 = tpu.memref_slice %arg11[%dma_start3A_325, %dma_start3A_334, %dma_start3A_335] : memref<4x16x1024xf32, #tpu.memory_space<vmem>> -> memref<1x16x1024xf32, #tpu.memory_space<vmem>>
      %dma_start3A_337 = tpu.memref_squeeze %dma_start3A_336 : memref<1x16x1024xf32, #tpu.memory_space<vmem>> -> memref<16x1024xf32, #tpu.memory_space<vmem>>
      tpu.enqueue_dma source(%dma_start3A_337 : memref<16x1024xf32, #tpu.memory_space<vmem>>) target(%dma_start3A_333 : memref<16x1024xf32, #tpu.memory_space<hbm>>) target_semaphore(%arg13 : memref<!tpu.dma_semaphore, #tpu.memory_space<semaphore_mem>>)
    }
    %scan3A_84 = arith.constant 16 : i32
    %add3A_85 = arith.constant 960 : i32
    %add3A_86 = arith.addi %mul3A_2, %add3A_85 : i32
    %dma_wait3A = arith.constant 0 : i32
    %dma_wait3A_87 = arith.constant 0 : i32
    %dma_wait3A_88 = arith.constant 0 : i32
    %dma_wait3A_89 = tpu.memref_slice %arg11[%dma_wait3A, %dma_wait3A_87, %dma_wait3A_88] : memref<4x16x1024xf32, #tpu.memory_space<vmem>> -> memref<1x16x1024xf32, #tpu.memory_space<vmem>>
    %dma_wait3A_90 = tpu.memref_squeeze %dma_wait3A_89 : memref<1x16x1024xf32, #tpu.memory_space<vmem>> -> memref<16x1024xf32, #tpu.memory_space<vmem>>
    %dma_wait3A_91 = arith.constant 0 : i32
    %dma_wait3A_92 = tpu.memref_slice %arg5[%add3A_86, %dma_wait3A_91] : memref<32768x1024xf32, #tpu.memory_space<hbm>> -> memref<16x1024xf32, #tpu.memory_space<hbm>>
    %dma_wait3A_93 = arith.constant 0 : i32
    %dma_wait3A_94 = tpu.memref_slice %arg5[%add3A_86, %dma_wait3A_93] : memref<32768x1024xf32, #tpu.memory_space<hbm>> -> memref<16x1024xf32, #tpu.memory_space<hbm>>
    %dma_wait3A_95 = arith.constant 0 : i32
    %dma_wait3A_96 = arith.constant 0 : i32
    %dma_wait3A_97 = tpu.memref_slice %arg11[%dma_wait3A, %dma_wait3A_95, %dma_wait3A_96] : memref<4x16x1024xf32, #tpu.memory_space<vmem>> -> memref<1x16x1024xf32, #tpu.memory_space<vmem>>
    %dma_wait3A_98 = tpu.memref_squeeze %dma_wait3A_97 : memref<1x16x1024xf32, #tpu.memory_space<vmem>> -> memref<16x1024xf32, #tpu.memory_space<vmem>>
    tpu.wait_dma2 semaphore(%arg13 : memref<!tpu.dma_semaphore, #tpu.memory_space<semaphore_mem>>) src(%dma_wait3A_98 : memref<16x1024xf32, #tpu.memory_space<vmem>>) dst(%dma_wait3A_94 : memref<16x1024xf32, #tpu.memory_space<hbm>>)
    %add3A_99 = arith.constant 976 : i32
    %add3A_100 = arith.addi %mul3A_2, %add3A_99 : i32
    %dma_wait3A_101 = arith.constant 1 : i32
    %dma_wait3A_102 = arith.constant 0 : i32
    %dma_wait3A_103 = arith.constant 0 : i32
    %dma_wait3A_104 = tpu.memref_slice %arg11[%dma_wait3A_101, %dma_wait3A_102, %dma_wait3A_103] : memref<4x16x1024xf32, #tpu.memory_space<vmem>> -> memref<1x16x1024xf32, #tpu.memory_space<vmem>>
    %dma_wait3A_105 = tpu.memref_squeeze %dma_wait3A_104 : memref<1x16x1024xf32, #tpu.memory_space<vmem>> -> memref<16x1024xf32, #tpu.memory_space<vmem>>
    %dma_wait3A_106 = arith.constant 0 : i32
    %dma_wait3A_107 = tpu.memref_slice %arg5[%add3A_100, %dma_wait3A_106] : memref<32768x1024xf32, #tpu.memory_space<hbm>> -> memref<16x1024xf32, #tpu.memory_space<hbm>>
    %dma_wait3A_108 = arith.constant 0 : i32
    %dma_wait3A_109 = tpu.memref_slice %arg5[%add3A_100, %dma_wait3A_108] : memref<32768x1024xf32, #tpu.memory_space<hbm>> -> memref<16x1024xf32, #tpu.memory_space<hbm>>
    %dma_wait3A_110 = arith.constant 0 : i32
    %dma_wait3A_111 = arith.constant 0 : i32
    %dma_wait3A_112 = tpu.memref_slice %arg11[%dma_wait3A_101, %dma_wait3A_110, %dma_wait3A_111] : memref<4x16x1024xf32, #tpu.memory_space<vmem>> -> memref<1x16x1024xf32, #tpu.memory_space<vmem>>
    %dma_wait3A_113 = tpu.memref_squeeze %dma_wait3A_112 : memref<1x16x1024xf32, #tpu.memory_space<vmem>> -> memref<16x1024xf32, #tpu.memory_space<vmem>>
    tpu.wait_dma2 semaphore(%arg13 : memref<!tpu.dma_semaphore, #tpu.memory_space<semaphore_mem>>) src(%dma_wait3A_113 : memref<16x1024xf32, #tpu.memory_space<vmem>>) dst(%dma_wait3A_109 : memref<16x1024xf32, #tpu.memory_space<hbm>>)
    %add3A_114 = arith.constant 992 : i32
    %add3A_115 = arith.addi %mul3A_2, %add3A_114 : i32
    %dma_wait3A_116 = arith.constant 2 : i32
    %dma_wait3A_117 = arith.constant 0 : i32
    %dma_wait3A_118 = arith.constant 0 : i32
    %dma_wait3A_119 = tpu.memref_slice %arg11[%dma_wait3A_116, %dma_wait3A_117, %dma_wait3A_118] : memref<4x16x1024xf32, #tpu.memory_space<vmem>> -> memref<1x16x1024xf32, #tpu.memory_space<vmem>>
    %dma_wait3A_120 = tpu.memref_squeeze %dma_wait3A_119 : memref<1x16x1024xf32, #tpu.memory_space<vmem>> -> memref<16x1024xf32, #tpu.memory_space<vmem>>
    %dma_wait3A_121 = arith.constant 0 : i32
    %dma_wait3A_122 = tpu.memref_slice %arg5[%add3A_115, %dma_wait3A_121] : memref<32768x1024xf32, #tpu.memory_space<hbm>> -> memref<16x1024xf32, #tpu.memory_space<hbm>>
    %dma_wait3A_123 = arith.constant 0 : i32
    %dma_wait3A_124 = tpu.memref_slice %arg5[%add3A_115, %dma_wait3A_123] : memref<32768x1024xf32, #tpu.memory_space<hbm>> -> memref<16x1024xf32, #tpu.memory_space<hbm>>
    %dma_wait3A_125 = arith.constant 0 : i32
    %dma_wait3A_126 = arith.constant 0 : i32
    %dma_wait3A_127 = tpu.memref_slice %arg11[%dma_wait3A_116, %dma_wait3A_125, %dma_wait3A_126] : memref<4x16x1024xf32, #tpu.memory_space<vmem>> -> memref<1x16x1024xf32, #tpu.memory_space<vmem>>
    %dma_wait3A_128 = tpu.memref_squeeze %dma_wait3A_127 : memref<1x16x1024xf32, #tpu.memory_space<vmem>> -> memref<16x1024xf32, #tpu.memory_space<vmem>>
    tpu.wait_dma2 semaphore(%arg13 : memref<!tpu.dma_semaphore, #tpu.memory_space<semaphore_mem>>) src(%dma_wait3A_128 : memref<16x1024xf32, #tpu.memory_space<vmem>>) dst(%dma_wait3A_124 : memref<16x1024xf32, #tpu.memory_space<hbm>>)
    %add3A_129 = arith.constant 1008 : i32
    %add3A_130 = arith.addi %mul3A_2, %add3A_129 : i32
    %dma_wait3A_131 = arith.constant 3 : i32
    %dma_wait3A_132 = arith.constant 0 : i32
    %dma_wait3A_133 = arith.constant 0 : i32
    %dma_wait3A_134 = tpu.memref_slice %arg11[%dma_wait3A_131, %dma_wait3A_132, %dma_wait3A_133] : memref<4x16x1024xf32, #tpu.memory_space<vmem>> -> memref<1x16x1024xf32, #tpu.memory_space<vmem>>
    %dma_wait3A_135 = tpu.memref_squeeze %dma_wait3A_134 : memref<1x16x1024xf32, #tpu.memory_space<vmem>> -> memref<16x1024xf32, #tpu.memory_space<vmem>>
    %dma_wait3A_136 = arith.constant 0 : i32
    %dma_wait3A_137 = tpu.memref_slice %arg5[%add3A_130, %dma_wait3A_136] : memref<32768x1024xf32, #tpu.memory_space<hbm>> -> memref<16x1024xf32, #tpu.memory_space<hbm>>
    %dma_wait3A_138 = arith.constant 0 : i32
    %dma_wait3A_139 = tpu.memref_slice %arg5[%add3A_130, %dma_wait3A_138] : memref<32768x1024xf32, #tpu.memory_space<hbm>> -> memref<16x1024xf32, #tpu.memory_space<hbm>>
    %dma_wait3A_140 = arith.constant 0 : i32
    %dma_wait3A_141 = arith.constant 0 : i32
    %dma_wait3A_142 = tpu.memref_slice %arg11[%dma_wait3A_131, %dma_wait3A_140, %dma_wait3A_141] : memref<4x16x1024xf32, #tpu.memory_space<vmem>> -> memref<1x16x1024xf32, #tpu.memory_space<vmem>>
    %dma_wait3A_143 = tpu.memref_squeeze %dma_wait3A_142 : memref<1x16x1024xf32, #tpu.memory_space<vmem>> -> memref<16x1024xf32, #tpu.memory_space<vmem>>
    tpu.wait_dma2 semaphore(%arg13 : memref<!tpu.dma_semaphore, #tpu.memory_space<semaphore_mem>>) src(%dma_wait3A_143 : memref<16x1024xf32, #tpu.memory_space<vmem>>) dst(%dma_wait3A_139 : memref<16x1024xf32, #tpu.memory_space<hbm>>)
    %dma_wait3A_144 = tpu.memref_slice %arg6[%select_n3A, %mul3A_34] : memref<4x8192xi32, #tpu.memory_space<hbm>> -> memref<1x1024xi32, #tpu.memory_space<hbm>>
    %dma_wait3A_145 = tpu.memref_squeeze %dma_wait3A_144 : memref<1x1024xi32, #tpu.memory_space<hbm>> -> memref<1024xi32, #tpu.memory_space<hbm>>
    %dma_wait3A_146 = tpu.memref_slice %arg6[%select_n3A, %mul3A_34] : memref<4x8192xi32, #tpu.memory_space<hbm>> -> memref<1x1024xi32, #tpu.memory_space<hbm>>
    %dma_wait3A_147 = tpu.memref_squeeze %dma_wait3A_146 : memref<1x1024xi32, #tpu.memory_space<hbm>> -> memref<1024xi32, #tpu.memory_space<hbm>>
    tpu.wait_dma2 semaphore(%arg14 : memref<!tpu.dma_semaphore, #tpu.memory_space<semaphore_mem>>) src(%arg9 : memref<1024xi32, #tpu.memory_space<vmem>>) dst(%dma_wait3A_147 : memref<1024xi32, #tpu.memory_space<hbm>>)
    %dma_wait3A_148 = tpu.memref_slice %arg3[%select_n3A, %mul3A_34] : memref<4x8192xi32, #tpu.memory_space<hbm>> -> memref<1x1024xi32, #tpu.memory_space<hbm>>
    %dma_wait3A_149 = tpu.memref_squeeze %dma_wait3A_148 : memref<1x1024xi32, #tpu.memory_space<hbm>> -> memref<1024xi32, #tpu.memory_space<hbm>>
    %dma_wait3A_150 = tpu.memref_slice %arg3[%select_n3A, %mul3A_34] : memref<4x8192xi32, #tpu.memory_space<hbm>> -> memref<1x1024xi32, #tpu.memory_space<hbm>>
    %dma_wait3A_151 = tpu.memref_squeeze %dma_wait3A_150 : memref<1x1024xi32, #tpu.memory_space<hbm>> -> memref<1024xi32, #tpu.memory_space<hbm>>
    tpu.wait_dma2 semaphore(%arg14 : memref<!tpu.dma_semaphore, #tpu.memory_space<semaphore_mem>>) src(%dma_wait3A_151 : memref<1024xi32, #tpu.memory_space<hbm>>) dst(%arg10 : memref<1024xi32, #tpu.memory_space<vmem>>)
    "tpu.region"() ({
      %run_scoped3A = tpu.sem_alloc : memref<!tpu.dma_semaphore, #tpu.memory_space<semaphore_mem>>
      %dma_start3A_152 = tpu.memref_slice %arg7[%select_n3A, %mul3A_34] : memref<4x8192xi32, #tpu.memory_space<hbm>> -> memref<1x1024xi32, #tpu.memory_space<hbm>>
      %dma_start3A_153 = tpu.memref_squeeze %dma_start3A_152 : memref<1x1024xi32, #tpu.memory_space<hbm>> -> memref<1024xi32, #tpu.memory_space<hbm>>
      %dma_start3A_154 = tpu.memref_slice %arg7[%select_n3A, %mul3A_34] : memref<4x8192xi32, #tpu.memory_space<hbm>> -> memref<1x1024xi32, #tpu.memory_space<hbm>>
      %dma_start3A_155 = tpu.memref_squeeze %dma_start3A_154 : memref<1x1024xi32, #tpu.memory_space<hbm>> -> memref<1024xi32, #tpu.memory_space<hbm>>
      tpu.enqueue_dma source(%arg10 : memref<1024xi32, #tpu.memory_space<vmem>>) target(%dma_start3A_155 : memref<1024xi32, #tpu.memory_space<hbm>>) target_semaphore(%run_scoped3A : memref<!tpu.dma_semaphore, #tpu.memory_space<semaphore_mem>>)
      %dma_wait3A_156 = tpu.memref_slice %arg7[%select_n3A, %mul3A_34] : memref<4x8192xi32, #tpu.memory_space<hbm>> -> memref<1x1024xi32, #tpu.memory_space<hbm>>
      %dma_wait3A_157 = tpu.memref_squeeze %dma_wait3A_156 : memref<1x1024xi32, #tpu.memory_space<hbm>> -> memref<1024xi32, #tpu.memory_space<hbm>>
      %dma_wait3A_158 = tpu.memref_slice %arg7[%select_n3A, %mul3A_34] : memref<4x8192xi32, #tpu.memory_space<hbm>> -> memref<1x1024xi32, #tpu.memory_space<hbm>>
      %dma_wait3A_159 = tpu.memref_squeeze %dma_wait3A_158 : memref<1x1024xi32, #tpu.memory_space<hbm>> -> memref<1024xi32, #tpu.memory_space<hbm>>
      tpu.wait_dma2 semaphore(%run_scoped3A : memref<!tpu.dma_semaphore, #tpu.memory_space<semaphore_mem>>) src(%arg10 : memref<1024xi32, #tpu.memory_space<vmem>>) dst(%dma_wait3A_159 : memref<1024xi32, #tpu.memory_space<hbm>>)
      tpu.yield
    }) : () -> ()
    return
  }
}

</mosaic_0001>

<sc_bundles>
// kernel: kernel.3.cloned.1.call-start
scs
__scs_entry_jumppad:
0x0: {  	(pc) =	sbr.rel $0x88, $3  }
0x1: {  	(tag) =	ssettag $0x0;
	lr =	simm.s32 $0x1  }
0x2: {  	[smem:$0x3F9E] =	sst lr;
	_ =	strace $0xD0000000  }
0x3: {  	_ = 	snop  }
0x4: {  	_ = 	snop  }
0x5: {  	_ = 	snop  }
0x6: {  	_ = 	snop  }
0x7: {  	_ = 	snop  }
__scs_overlays_trampoline_lowered:
0x8: {  	[smem:$0x3FAD] =	sst s0  }
0x9: {  	[smem:$0x3FAE] =	sst s1  }
0xa: {  	[smem:$0x3FAF] =	sst s2  }
0xb: {  	[smem:$0x3FB0] =	sst s3  }
0xc: {  	[smem:$0x3FB1] =	sst s4  }
0xd: {  	[smem:$0x3FB2] =	sst s5  }
0xe: {  	[smem:$0x3FB3] =	sst s6  }
0xf: {  	[smem:$0x3FB4] =	sst s7  }
0x10: {  	[smem:$0x3FB5] =	sst s8  }
0x11: {  	[smem:$0x3FB6] =	sst s9;
	s0 =	simm.s32 @!p0 $0x0  }
0x12: {  	s1 =	sld [smem:$0x3F9C];
	s0 =	simm.s32 @p0 $0x1  }
0x13: {  	[smem:$0x3FB7] =	sst s0;
	s0 =	simm.s32 @!p1 $0x0  }
0x14: {  	s2 =	sld [smem:$0x3F9B];
	s0 =	simm.s32 @p1 $0x1  }
0x15: {  	[smem:$0x3FB8] =	sst s0;
	s0 =	simm.s32 @!p2 $0x0  }
0x16: {  	s3 =	sld [smem:$0x3FDB];
	s0 =	simm.s32 @p2 $0x1  }
0x17: {  	s4 =	simm.s32 $0x1BF5;
	[smem:$0x3FBA] =	sst s0  }
0x18: {  	s0 =	sld [smem:$0x3F9D];
	_ =	swait.ge [sflag:s4], $0x0  }
0x19: {  	s7 =	sld [smem:$0x3F9E]  }
0x1a: {  	s8 =	sadd.s32 $0xFFFFE003, lr  }
0x1b: {  	s9 =	sadd.s32 $0xFFFFFEF7, lr;
	s5 =	simm.s32 $0xFFFFFFFF;
	p2 =	slt.u32 s8, $0xFFFFF086  }
0x1c: {  	p1 =	slt.u32 s9, $0xF7A;
	s5 =	simm.s32 @!p2 $0x0  }
0x1d: {  	s5 =	simm.s32 @p1 $0x1;
	p0 =	seq.s32 s7, s2  }
0x1e: {  	s7 =	smul.u32 @!p0 $0xF7A, s2;
	p2 =	seq.s32 @!p0 s5, $0x0  }
0x1f: {  	s9 =	smul.u32 $0xF7A, s1;
	s8 =	simm.s32 @!p0 $0x1BF5;
	p2 =	por !p2, p0  }
0x20: {  	[sflag:s8] =	ssyncset.s32 @!p0 $0xFFFFF086;
	s6 =	sadd.s32 @!p0 s3, s7;
	s7 =	simm.s32 @!p0 $0x108  }
0x21: {  	s3 =	sadd.s32 s3, s9;
	s6 =	sadd.s32 @!p0 $0x88, s6;
	s7 =	simm.s32 @p2 $0x1082  }
0x22: {  	[simem:s7], [sflag:s8] =	dma.local @!p0 [hbm:s6], $0xF7A  }
0x23: {  	s9 =	sor.u32 $0xD0000000, s2;
	s6 =	simm.s32 $0x108;
	_ =	swait.ge @!p0 [sflag:s8], $0x0  }
0x24: {  	s3 =	sadd.s32 $0x88, s3;
	s6 =	simm.s32 @!p1 $0x1082;
	[sflag:s4] =	ssyncset.s32 $0xFFFFF086  }
0x25: {  	[simem:s6], [sflag:s4] =	dma.local [hbm:s3], $0xF7A  }
0x26: {  	[smem:$0x3F9E] =	sst s1;
	(tag) =	ssettag s2;
	_ =	strace s9  }
0x27: {  	s1 =	sld [smem:$0x3FAE]  }
0x28: {  	s2 =	sld [smem:$0x3FAF]  }
0x29: {  	s4 =	sld [smem:$0x3FB1]  }
0x2a: {  	p0 =	seq.s32 s5, $0x0;
	s5 =	sld [smem:$0x3FB2]  }
0x2b: {  	s6 =	sld [smem:$0x3FB3]  }
0x2c: {  	s7 =	sld [smem:$0x3FB4]  }
0x2d: {  	s3 =	simm.s32 $0x108;
	s8 =	sld [smem:$0x3FB5]  }
0x2e: {  	s3 =	simm.s32 @!p0 $0x1082;
	s9 =	sld [smem:$0x3FB6]  }
0x2f: {  	lr =	sadd.s32 s0, s3;
	s0 =	sld [smem:$0x3FAD]  }
0x30: {  	s3 =	sld [smem:$0x3FB0]  }
0x31: {  	[smem:$0x3FB9] =	sst s10  }
0x32: {  	s10 =	sld [smem:$0x3FB7];
	_ =	sdelay $0x3  }
0x33: {  	p0 =	seq.s32 s10, $0x1;
	s10 =	sld [smem:$0x3FB9];
	_ =	sdelay $0x3  }
0x34: {  	[smem:$0x3FB9] =	sst s10  }
0x35: {  	s10 =	sld [smem:$0x3FB8];
	_ =	sdelay $0x3  }
0x36: {  	p1 =	seq.s32 s10, $0x1;
	s10 =	sld [smem:$0x3FB9];
	_ =	sdelay $0x3  }
0x37: {  	[smem:$0x3FB9] =	sst s10  }
0x38: {  	s10 =	sld [smem:$0x3FBA]  }
0x39: {  	_ = 	snop;
	(pc) =	sbr.ind lr, $3  }
0x3a: {  	_ = 	snop  }
0x3b: {  	_ = 	snop  }
0x3c: {  	p2 =	seq.s32 s10, $0x1;
	s10 =	sld [smem:$0x3FB9]  }
0x3d: {  	_ =	shalt  }
0x3e: {  	_ =	shalt  }
0x3f: {  	_ =	shalt  }
0x40: {  	_ =	shalt  }
0x41: {  	_ =	shalt  }
0x42: {  	_ =	shalt  }
0x43: {  	_ =	shalt  }
0x44: {  	_ =	shalt  }
0x45: {  	_ =	shalt  }
0x46: {  	_ =	shalt  }
0x47: {  	_ =	shalt  }
0x48: {  	_ =	shalt  }
0x49: {  	_ =	shalt  }
0x4a: {  	_ =	shalt  }
0x4b: {  	_ =	shalt  }
0x4c: {  	_ =	shalt  }
0x4d: {  	_ =	shalt  }
0x4e: {  	_ =	shalt  }
0x4f: {  	_ =	shalt  }
0x50: {  	_ =	shalt  }
0x51: {  	_ =	shalt  }
0x52: {  	_ =	shalt  }
0x53: {  	_ =	shalt  }
0x54: {  	_ =	shalt  }
0x55: {  	_ =	shalt  }
0x56: {  	_ =	shalt  }
0x57: {  	_ =	shalt  }
0x58: {  	_ =	shalt  }
0x59: {  	_ =	shalt  }
0x5a: {  	_ =	shalt  }
0x5b: {  	_ =	shalt  }
0x5c: {  	_ =	shalt  }
0x5d: {  	_ =	shalt  }
0x5e: {  	_ =	shalt  }
0x5f: {  	_ =	shalt  }
0x60: {  	_ =	shalt  }
0x61: {  	_ =	shalt  }
0x62: {  	_ =	shalt  }
0x63: {  	_ =	shalt  }
0x64: {  	_ =	shalt  }
0x65: {  	_ =	shalt  }
0x66: {  	_ =	shalt  }
0x67: {  	_ =	shalt  }
0x68: {  	_ =	shalt  }
0x69: {  	_ =	shalt  }
0x6a: {  	_ =	shalt  }
0x6b: {  	_ =	shalt  }
0x6c: {  	_ =	shalt  }
0x6d: {  	_ =	shalt  }
0x6e: {  	_ =	shalt  }
0x6f: {  	_ =	shalt  }
0x70: {  	_ =	shalt  }
0x71: {  	_ =	shalt  }
0x72: {  	_ =	shalt  }
0x73: {  	_ =	shalt  }
0x74: {  	_ =	shalt  }
0x75: {  	_ =	shalt  }
0x76: {  	_ =	shalt  }
0x77: {  	_ =	shalt  }
0x78: {  	_ =	shalt  }
0x79: {  	_ =	shalt  }
0x7a: {  	_ =	shalt  }
0x7b: {  	_ =	shalt  }
0x7c: {  	_ =	shalt  }
0x7d: {  	_ =	shalt  }
0x7e: {  	_ =	shalt  }
0x7f: {  	_ =	shalt  }
0x80: {  	_ =	shalt  }
0x81: {  	_ =	shalt  }
0x82: {  	_ =	shalt  }
0x83: {  	_ =	shalt  }
0x84: {  	_ =	shalt  }
0x85: {  	_ =	shalt  }
0x86: {  	_ =	shalt  }
0x87: {  	_ =	shalt  }
.Lfunc_end0:
.L_simem_size_0:
called_computation_lowered:
.L_overlay_start_0:
0x88: {  	s2 =	sld [smem:$0x3FD9]  }
0x89: {  	s3 =	sld [smem:$0x3FFE];
	_ =	sdelay $0x1  }
0x8a: {  	s1 =	srdreg.scid  }
0x8b: {  	s0 =	sand.u32 $0x1, s1  }
0x8c: {  	s15 =	sshll.u32 s0, $0xA;
	s2 =	sadd.s32 s3, s2  }
0x8d: {  	s2 =	sadd.s32 s2, s15  }
0x8e: {  	[smem:$0x3FC5] =	sst s2  }
0x8f: {  	_ = 	snop  }
0x90: {  	s2 =	sld [smem:$0x3FD0]  }
0x91: {  	s16 =	sld [smem:$0x3FC9]  }
0x92: {  	s4 =	sld [smem:$0x3FC8]  }
0x93: {  	s6 =	simm.s32 $0xA;
	s7 =	simm.s32 $0x10;
	s5 =	sld [smem:$0x3FC7]  }
0x94: {  	[smem:s7], [sflag:s6] =	dma.local [hbm:s2], $0x1  }
0x95: {  	_ =	swait.eq [sflag:s6], $0x1  }
0x96: {  	s17 =	sld [smem:$0x10];
	[sflag:s6] =	ssyncset.done $0x0  }
0x97: {  	s18 =	sld [smem:$0x11];
	[sflag:s6] =	ssyncadd.s32 $0xFFFFFFFF  }
0x98: {  	s19 =	sld [smem:$0x12];
	(tm) =	ssettm $0x1  }
0x99: {  	s8 =	sld [smem:$0x3FFB];
	_ =	sdelay $0x3  }
0x9a: {  	_ =	strace s8  }
0x9b: {  	s8 =	sld [smem:$0x3FFC];
	_ =	sdelay $0x3  }
0x9c: {  	_ =	strace s8  }
0x9d: {  	s8 =	sld [smem:$0x3FFD];
	_ =	sdelay $0x3  }
0x9e: {  	_ =	strace s8  }
0x9f: {  	_ =	strace $0x8FFFFFFF  }
0xa0: {  	s20 =	sld [smem:$0x3FDB];
	_ =	sdelay $0x1  }
0xa1: {  	s9 =	simm.s32 $_scs_section_size  }
0xa2: {  	s10 =	simm.s32 $_size__tile_overlayer_lowered;
	s11 =	simm.s32 $_tile_overlayer_lowered  }
0xa3: {  	s23 =	simm.s32 $0x1BFF;
	s22 =	sshll.u32 s11, $0x1;
	s8 =	sadd.s32 s9, s20  }
0xa4: {  	s12 =	simm.s32 $0x0;
	s21 =	sshll.u32 s10, $0x1;
	s10 =	sadd.s32 s22, s8  }
0xa5: {  	[timem:s12], [sflag:s23] =	dma.local [hbm:s10], s21  }
0xa6: {  	_ =	swait.ge [sflag:s23], s21  }
0xa7: {  	s9 =	ssub.s32 $0x0, s21;
	[sflag:s23] =	ssyncset.done $0x0  }
0xa8: {  	[sflag:s23] =	ssyncadd.s32 s9;
	_ =	sdelay $0x1  }
0xa9: {  	s24 =	simm.s32 $0x1B8B  }
0xaa: {  	_ =	swait.ge [sflag:s24], $0x1  }
0xab: {  	[sflag:s24] =	ssyncset.done $0x0  }
0xac: {  	s25 =	simm.s32 $0x1B8E;
	[sflag:s24] =	ssyncadd.s32 $0xFFFFFFFF  }
0xad: {  	s26 =	simm.s32 $execute0_lowered;
	[smem:$0x3FD2] =	sst s25  }
0xae: {  	s9 =	sshll.u32 s26, $0x1;
	_ =	strace $0x80000046;
	[dreg:$0x1] =	wrdreg $0xFFFFFFFF  }
0xaf: {  	s28 =	simm.s32 $_size_execute0_lowered;
	s8 =	sadd.s32 s8, s9;
	[dreg:$0x0] =	wrdreg $0x0  }
0xb0: {  	s9 =	sshll.u32 s28, $0x1;
	[dreg:$0x2] =	wrdreg s8  }
0xb1: {  	[dreg:$0x3] =	wrdreg s9  }
0xb2: {  	[dreg:$0x4] =	wrdreg $0xC0  }
0xb3: {  	_ =	task [dreg:s12], $0x5FFFF  }
0xb4: {  	[dreg:$0x1] =	wrdreg $0xFFFFFFFF  }
0xb5: {  	[dreg:$0x0] =	wrdreg $0x60  }
0xb6: {  	[dreg:$0x2] =	wrdreg s16  }
0xb7: {  	[dreg:$0x3] =	wrdreg s4  }
0xb8: {  	[dreg:$0x4] =	wrdreg s5  }
0xb9: {  	[dreg:$0x5] =	wrdreg s17  }
0xba: {  	[dreg:$0x6] =	wrdreg s19  }
0xbb: {  	[dreg:$0x7] =	wrdreg s18  }
0xbc: {  	[dreg:$0x8] =	wrdreg $0x9  }
0xbd: {  	_ =	task.clear_ibuf [dreg:s12], $0x9FFFF;
	_ =	strace $0x90000046  }
0xbe: {  	s29 =	simm.s32 $0x9;
	_ =	strace $0x80000048  }
0xbf: {  	_ =	swait.ge [sflag:s29], $0x1  }
0xc0: {  	[sflag:s29] =	ssyncadd.s32 $0xFFFFFFFF  }
0xc1: {  	_ =	strace $0x90000048  }
0xc2: {  	_ =	sfence  }
0xc3: {  	s30 =	sld [smem:$0x0];
	_ =	sdelay $0x2  }
0xc4: {  	s31 =	sshll.u32 s1, $0xD;
	s1 =	sshrl.u32 s1, $0x2  }
0xc5: {  	s3 =	sand.u32 $0x4000, s31;
	s1 =	sadd.s32 s1, s30  }
0xc6: {  	s0 =	sor.u32 s3, s0;
	s1 =	sshll.u32 s1, $0x11  }
0xc7: {  	s0 =	sor.u32 s1, s0  }
0xc8: {  	s0 =	sadd.s32 $0x8F2B, s0  }
0xc9: {  	[sflag:s0] =	ssyncadd.remote.s32 $0x1  }
0xca: {  	_ =	sfence.sel $0xFFFF  }
0xcb: {  	[dreg:$0x0] =	wrdreg $0xFFFFFFFF;
	(pc) =	sbr.abs _section_cstart, $3  }
0xcc: {  	[dreg:$0x1] =	wrdreg $0xFFFFFFFF  }
0xcd: {  	_ =	task.clear_ibuf [dreg:s12], $0x2FFFF;
	_ =	strace $0x9FFFFFFF  }
0xce: {  	(tm) =	ssettm $0x7FFFFFFF  }
0xcf: {  	_ =	shalt  }
tec
execute0_lowered:
.L_overlay_start_1:
0x0: {  	(tag) =	ssettag $0x1  }
0x1: {  	s0 =	rddreg [dreg:$0x0]  }
0x2: {  	s2 =	rddreg [dreg:$0x1]  }
0x3: {  	s1 =	rddreg [dreg:$0x2]  }
0x4: {  	s9 =	rddreg [dreg:$0x3]  }
0x5: {  	s8 =	rddreg [dreg:$0x4]  }
0x6: {  	s3 =	srdreg.scid;
	s15 =	stileid.u32  }
0x7: {  	s10 =	rddreg [dreg:$0x5];
	s16 =	simm.s32 $0xC00;
	s20 =	simm.s32 $0xD400  }
0x8: {  	s21 =	simm.s32 $0xDC00;
	s22 =	simm.s32 $0xE400;
	s23 =	simm.s32 $0xEC00  }
0x9: {  	s24 =	simm.s32 $0xF400;
	s25 =	simm.s32 $0xFC00;
	s26 =	simm.s32 $0x10400  }
0xa: {  	s28 =	simm.s32 $0xCC00;
	s11 =	sand.u32 $0x1, s3;
	s3 =	simm.s32 $0x0  }
0xb: {  	s29 =	simm.s32 $0x1;
	s30 =	simm.s32 $0x2;
	[smem:$0x7FF] =	sst s3  }
0xc: {  	s31 =	simm.s32 $0x3;
	_ =	strace $0x80000047;
	[dreg:$0x8] =	wrdreg s20  }
0xd: {  	s4 =	sshll.u32 s15, $0x1;
	s18 =	sshll.u32 s15, $0x2;
	[dreg:$0x9] =	wrdreg s21  }
0xe: {  	s19 =	sshll.u32 s15, $0x12;
	s15 =	simm.s32 $0x4;
	[dreg:$0xa] =	wrdreg s22  }
0xf: {  	s4 =	sor.u32 s11, s4;
	s5 =	ssub.s32 $0x2, s11;
	[dreg:$0xb] =	wrdreg s23  }
0x10: {  	s11 =	sshll.u32 s11, $0x11;
	s12 =	sand.u32 $0x7, s4;
	[dreg:$0xc] =	wrdreg s24  }
0x11: {  	s4 =	sand.u32 $0x30, s18;
	s7 =	sshrl.u32 s5, $0x1;
	[dreg:$0xd] =	wrdreg s25  }
0x12: {  	s24 =	simm.s32 $0x4C00;
	[dreg:$0xe] =	wrdreg s26;
	s23 =	simm.s32 $0xC400  }
0x13: {  	s25 =	simm.s32 $0x400;
	s26 =	simm.s32 $0x800;
	s6 =	sshll.u32 s12, $0x9  }
0x14: {  	s14 =	ssub.s32 s5, s7;
	s5 =	sadd.s32 $0x100, s1;
	s7 =	sadd.s32 $0x300, s1  }
0x15: {  	s12 =	sshll.u32 s12, $0xA;
	s13 =	sor.u32 s4, s6;
	s6 =	sadd.s32 $0x200, s1  }
0x16: {  	s4 =	sadd.s32 s0, s13;
	s8 =	sadd.s32 s8, s13;
	s0 =	sadd.s32 s19, s9  }
0x17: {  	v0 =	vlaneseq.u32;
	s9 =	sadd.s32 s2, s13;
	s10 =	sadd.s32 s10, s13;
	s13 =	simm.s32 $0x80  }
0x18: {  	vm0 =	vmmov $0xffff;
	v2 =	vshrl.u32 v0, $0x3;
	s2 =	simm.s32 $0x0;
	s0 =	sadd.s32 s11, s0;
	s11 =	smax.u32 s14, $0x1  }
0x19: {  	v1 =	vand.u32 $0x7, v0;
	v3 =	vor.u32 $0x8, v0;
	v2 =	vmul.u32 $0x8, v2;
	s14 =	simm.s32 $0x200;
	[dreg:$0x7] =	wrdreg s0;
	s0 =	simm.s32 $0x8C00  }
.LBB2_1:
0x1a: {  	[tilespmem:s3], [sflag:$0x4] =	stream.strided.gather [hbm4b:s4+s13], $0x400, s14, s13, $0x38;
	[tilespmem:$0x10C00] =	vst v63  }
0x1b: {  	_ =	swait.ge [sflag:s15], $0x400  }
0x1c: {  	[sflag:s15] =	ssyncset.done $0x0  }
0x1d: {  	[sflag:s15] =	ssyncadd.s32 $0xFFFFFC00  }
0x1e: {  	v4 =	vld [tilespmem:$0x0];
	_ =	sdelay $0x4  }
0x1f: {  	v5 =	vshll.u32 v4, $0x3  }
0x20: {  	v4 =	vand.u32 $0x7, v4;
	v5 =	vand.u32 $0xFFFFFFC0, v5  }
0x21: {  	v4 =	vor.u32 v4, v5  }
0x22: {  	v5 =	vperm.xlane v4, v1;
	_ =	sdelay $0x1  }
0x23: {  	v5 =	vadd.s32 v2, v5;
	_ =	sdelay $0x4  }
0x24: {  	[tilespmem:s16], [sflag:$0x1] =	stream.indirect_vreg.gather [hbm4b:s1+s3], $0x80, v5, vm0, $0xb8;
	[tilespmem:$0x10C00] =	vst v63  }
0x25: {  	s17 =	simm.s32 $0x1400;
	v4 =	vperm.xlane v4, v3  }
0x26: {  	[tilespmem:s17], [sflag:$0x1] =	stream.indirect_vreg.gather [hbm4b:s5+s3], $0x80, v5, vm0, $0xb8;
	[tilespmem:$0x10C00] =	vst v63  }
0x27: {  	s19 =	simm.s32 $0x1C00;
	v4 =	vadd.s32 v2, v4  }
0x28: {  	[tilespmem:s19], [sflag:$0x1] =	stream.indirect_vreg.gather [hbm4b:s6+s3], $0x80, v5, vm0, $0xb8;
	[tilespmem:$0x10C00] =	vst v63  }
0x29: {  	s20 =	simm.s32 $0x2400  }
0x2a: {  	[tilespmem:s20], [sflag:$0x1] =	stream.indirect_vreg.gather [hbm4b:s7+s3], $0x80, v5, vm0, $0xb8;
	[tilespmem:$0x10C00] =	vst v63  }
0x2b: {  	s21 =	simm.s32 $0x2C00  }
0x2c: {  	[tilespmem:s21], [sflag:$0x1] =	stream.indirect_vreg.gather [hbm4b:s1+s3], $0x80, v4, vm0, $0xb8;
	[tilespmem:$0x10C00] =	vst v63  }
0x2d: {  	s22 =	simm.s32 $0x3400  }
0x2e: {  	[tilespmem:s22], [sflag:$0x1] =	stream.indirect_vreg.gather [hbm4b:s5+s3], $0x80, v4, vm0, $0xb8;
	[tilespmem:$0x10C00] =	vst v63  }
0x2f: {  	s18 =	simm.s32 $0x3C00  }
0x30: {  	[tilespmem:s18], [sflag:$0x1] =	stream.indirect_vreg.gather [hbm4b:s6+s3], $0x80, v4, vm0, $0xb8;
	[tilespmem:$0x10C00] =	vst v63  }
0x31: {  	s19 =	simm.s32 $0x4400  }
0x32: {  	[tilespmem:s19], [sflag:$0x1] =	stream.indirect_vreg.gather [hbm4b:s7+s3], $0x80, v4, vm0, $0xb8;
	[tilespmem:$0x10C00] =	vst v63  }
0x33: {  	v4 =	vld [tilespmem:$0x10];
	_ =	sdelay $0x4  }
0x34: {  	v5 =	vshll.u32 v4, $0x3  }
0x35: {  	v4 =	vand.u32 $0x7, v4;
	v5 =	vand.u32 $0xFFFFFFC0, v5  }
0x36: {  	v4 =	vor.u32 v4, v5  }
0x37: {  	v5 =	vperm.xlane v4, v1;
	_ =	sdelay $0x1  }
0x38: {  	v5 =	vadd.s32 v2, v5;
	_ =	sdelay $0x4  }
0x39: {  	[tilespmem:s24], [sflag:$0x1] =	stream.indirect_vreg.gather [hbm4b:s1+s3], $0x80, v5, vm0, $0xb8;
	[tilespmem:$0x10C00] =	vst v63  }
0x3a: {  	s20 =	simm.s32 $0x5400;
	v4 =	vperm.xlane v4, v3  }
0x3b: {  	[tilespmem:s20], [sflag:$0x1] =	stream.indirect_vreg.gather [hbm4b:s5+s3], $0x80, v5, vm0, $0xb8;
	[tilespmem:$0x10C00] =	vst v63  }
0x3c: {  	s21 =	simm.s32 $0x5C00;
	v4 =	vadd.s32 v2, v4  }
0x3d: {  	[tilespmem:s21], [sflag:$0x1] =	stream.indirect_vreg.gather [hbm4b:s6+s3], $0x80, v5, vm0, $0xb8;
	[tilespmem:$0x10C00] =	vst v63  }
0x3e: {  	s22 =	simm.s32 $0x6400  }
0x3f: {  	[tilespmem:s22], [sflag:$0x1] =	stream.indirect_vreg.gather [hbm4b:s7+s3], $0x80, v5, vm0, $0xb8;
	[tilespmem:$0x10C00] =	vst v63  }
0x40: {  	s18 =	simm.s32 $0x6C00  }
0x41: {  	[tilespmem:s18], [sflag:$0x1] =	stream.indirect_vreg.gather [hbm4b:s1+s3], $0x80, v4, vm0, $0xb8;
	[tilespmem:$0x10C00] =	vst v63  }
0x42: {  	s19 =	simm.s32 $0x7400  }
0x43: {  	[tilespmem:s19], [sflag:$0x1] =	stream.indirect_vreg.gather [hbm4b:s5+s3], $0x80, v4, vm0, $0xb8;
	[tilespmem:$0x10C00] =	vst v63  }
0x44: {  	s20 =	simm.s32 $0x7C00  }
0x45: {  	[tilespmem:s20], [sflag:$0x1] =	stream.indirect_vreg.gather [hbm4b:s6+s3], $0x80, v4, vm0, $0xb8;
	[tilespmem:$0x10C00] =	vst v63  }
0x46: {  	s21 =	simm.s32 $0x8400  }
0x47: {  	[tilespmem:s21], [sflag:$0x1] =	stream.indirect_vreg.gather [hbm4b:s7+s3], $0x80, v4, vm0, $0xb8;
	[tilespmem:$0x10C00] =	vst v63  }
0x48: {  	v4 =	vld [tilespmem:$0x20];
	_ =	sdelay $0x4  }
0x49: {  	v5 =	vshll.u32 v4, $0x3  }
0x4a: {  	v4 =	vand.u32 $0x7, v4;
	v5 =	vand.u32 $0xFFFFFFC0, v5  }
0x4b: {  	v4 =	vor.u32 v4, v5  }
0x4c: {  	v5 =	vperm.xlane v4, v1;
	_ =	sdelay $0x1  }
0x4d: {  	v5 =	vadd.s32 v2, v5;
	_ =	sdelay $0x4  }
0x4e: {  	[tilespmem:s0], [sflag:$0x1] =	stream.indirect_vreg.gather [hbm4b:s1+s3], $0x80, v5, vm0, $0xb8;
	[tilespmem:$0x10C00] =	vst v63  }
0x4f: {  	s22 =	simm.s32 $0x9400;
	v4 =	vperm.xlane v4, v3  }
0x50: {  	[tilespmem:s22], [sflag:$0x1] =	stream.indirect_vreg.gather [hbm4b:s5+s3], $0x80, v5, vm0, $0xb8;
	[tilespmem:$0x10C00] =	vst v63  }
0x51: {  	s18 =	simm.s32 $0x9C00;
	v4 =	vadd.s32 v2, v4  }
0x52: {  	[tilespmem:s18], [sflag:$0x1] =	stream.indirect_vreg.gather [hbm4b:s6+s3], $0x80, v5, vm0, $0xb8;
	[tilespmem:$0x10C00] =	vst v63  }
0x53: {  	s19 =	simm.s32 $0xA400  }
0x54: {  	[tilespmem:s19], [sflag:$0x1] =	stream.indirect_vreg.gather [hbm4b:s7+s3], $0x80, v5, vm0, $0xb8;
	[tilespmem:$0x10C00] =	vst v63  }
0x55: {  	s20 =	simm.s32 $0xAC00  }
0x56: {  	[tilespmem:s20], [sflag:$0x1] =	stream.indirect_vreg.gather [hbm4b:s1+s3], $0x80, v4, vm0, $0xb8;
	[tilespmem:$0x10C00] =	vst v63  }
0x57: {  	s21 =	simm.s32 $0xB400  }
0x58: {  	[tilespmem:s21], [sflag:$0x1] =	stream.indirect_vreg.gather [hbm4b:s5+s3], $0x80, v4, vm0, $0xb8;
	[tilespmem:$0x10C00] =	vst v63  }
0x59: {  	s22 =	simm.s32 $0xBC00  }
0x5a: {  	[tilespmem:s22], [sflag:$0x1] =	stream.indirect_vreg.gather [hbm4b:s6+s3], $0x80, v4, vm0, $0xb8;
	[tilespmem:$0x10C00] =	vst v63  }
0x5b: {  	s17 =	simm.s32 $0x40;
	s18 =	smov.u32 s12;
	s19 =	simm.s32 $0x0  }
0x5c: {  	[tilespmem:s23], [sflag:$0x1] =	stream.indirect_vreg.gather [hbm4b:s7+s3], $0x80, v4, vm0, $0xb8;
	v4 =	vor.u32 s12, v0;
	[tilespmem:$0x10C00] =	vst v63  }
.LBB2_2:
0x5d: {  	p0 =	sne.s32 s17, $0xFC0  }
0x5e: {  	[tilespmem:s19+$0x400] =	vst v4;
	s18 =	sadd.s32 $0x10, s18;
	s19 =	smov.u32 s17;
	s17 =	sadd.s32 $0x40, s17  }
.Ltmp0:
0x5f: {  	(pc) =	sbr.rel @p0 .LBB2_2-.Ltmp0, $2  }
0x60: {  	_ =	sdelay $0x2  }
0x61: {  	v4 =	vor.u32 s18, v0;
	s19 =	sshra.s32 s19, $0x2  }
0x62: {  	[tilespmem:s19+$0x400] =	vst v4  }
0x63: {  	[hbm4b:s8+s13] =	stream.strided.scatter [tilespmem:s25], [sflag:$0x3], $0x400, s14, s13, $0x38;
	[tilespmem:$0x10C00] =	vst v63  }
0x64: {  	s17 =	simm.s32 $0x0;
	s18 =	simm.s32 $0x60  }
0x65: {  	[tilespmem:s26], [sflag:$0x3] =	stream.strided.gather [hbm4b:s9+s13], $0x400, s14, s13, $0x38;
	[tilespmem:$0x10C00] =	vst v63  }
.LBB2_4:
0x66: {  	p0 =	seq.s32 s17, $0x0  }
0x67: {  	s19 =	simm.s32 @!p0 $0x2  }
0x68: {  	_ =	swait.ge @!p0 [sflag:s19], $0x4000  }
0x69: {  	[sflag:s19] =	ssyncset.done @!p0 $0x0  }
0x6a: {  	[sflag:s19] =	ssyncadd.s32 @!p0 $0xFFFFC000  }
0x6b: {  	v4 =	vld [tilespmem:s18+$0xFFFFFFD0];
	_ =	sdelay $0x4  }
0x6c: {  	v5 =	vshll.u32 v4, $0x3  }
0x6d: {  	v4 =	vand.u32 $0x7, v4;
	v5 =	vand.u32 $0xFFFFFFC0, v5  }
0x6e: {  	v4 =	vor.u32 v4, v5  }
0x6f: {  	v5 =	vperm.xlane v4, v1;
	_ =	sdelay $0x1  }
0x70: {  	v5 =	vadd.s32 v2, v5;
	_ =	sdelay $0x4  }
0x71: {  	[tilespmem:s28], [sflag:$0x1] =	stream.indirect_vreg.gather [hbm4b:s1+s3], $0x80, v5, vm0, $0xb8;
	[tilespmem:$0x10C00] =	vst v63  }
0x72: {  	s22 =	rddreg [dreg:$0x8];
	v4 =	vperm.xlane v4, v3  }
0x73: {  	[tilespmem:s22], [sflag:$0x1] =	stream.indirect_vreg.gather [hbm4b:s5+s3], $0x80, v5, vm0, $0xb8;
	[tilespmem:$0x10C00] =	vst v63  }
0x74: {  	s20 =	rddreg [dreg:$0x9];
	v4 =	vadd.s32 v2, v4  }
0x75: {  	[tilespmem:s20], [sflag:$0x1] =	stream.indirect_vreg.gather [hbm4b:s6+s3], $0x80, v5, vm0, $0xb8;
	[tilespmem:$0x10C00] =	vst v63  }
0x76: {  	s21 =	rddreg [dreg:$0xa]  }
0x77: {  	[tilespmem:s21], [sflag:$0x1] =	stream.indirect_vreg.gather [hbm4b:s7+s3], $0x80, v5, vm0, $0xb8;
	[tilespmem:$0x10C00] =	vst v63  }
0x78: {  	s22 =	rddreg [dreg:$0xb]  }
0x79: {  	[tilespmem:s22], [sflag:$0x1] =	stream.indirect_vreg.gather [hbm4b:s1+s3], $0x80, v4, vm0, $0xb8;
	[tilespmem:$0x10C00] =	vst v63  }
0x7a: {  	s21 =	rddreg [dreg:$0xc]  }
0x7b: {  	[tilespmem:s21], [sflag:$0x1] =	stream.indirect_vreg.gather [hbm4b:s5+s3], $0x80, v4, vm0, $0xb8;
	[tilespmem:$0x10C00] =	vst v63  }
0x7c: {  	s22 =	rddreg [dreg:$0xd]  }
0x7d: {  	[tilespmem:s22], [sflag:$0x1] =	stream.indirect_vreg.gather [hbm4b:s6+s3], $0x80, v4, vm0, $0xb8;
	[tilespmem:$0x10C00] =	vst v63  }
0x7e: {  	s21 =	rddreg [dreg:$0xe]  }
0x7f: {  	[tilespmem:s21], [sflag:$0x1] =	stream.indirect_vreg.gather [hbm4b:s7+s3], $0x80, v4, vm0, $0xb8;
	[tilespmem:$0x10C00] =	vst v63  }
0x80: {  	_ =	swait.ge [sflag:s29], $0x4000  }
0x81: {  	p0 =	seq.s32 s17, $0x1E000;
	s22 =	rddreg [dreg:$0x7];
	[sflag:s29] =	ssyncset.done $0x0  }
0x82: {  	s21 =	simm.s32 @!p0 $0x2;
	[sflag:s29] =	ssyncadd.s32 $0xFFFFC000;
	s19 =	sadd.s32 s17, s22  }
0x83: {  	[hbm4b:s19+s3] =	stream.linear.scatter [tilespmem:s16], [sflag:$0x2], $0x4000, $0x38;
	[tilespmem:$0x10C00] =	vst v63  }
0x84: {  	_ =	swait.ge @!p0 [sflag:s21], $0x4000  }
0x85: {  	[sflag:s21] =	ssyncset.done @!p0 $0x0  }
0x86: {  	[sflag:s21] =	ssyncadd.s32 @!p0 $0xFFFFC000  }
0x87: {  	v4 =	vld @!p0 [tilespmem:s18+$0xFFFFFFE0];
	_ =	sdelay $0x4  }
0x88: {  	v5 =	vshll.u32 @!p0 v4, $0x3  }
0x89: {  	v6 =	vlaneseq.u32 @!p0;
	v4 =	vand.u32 @!p0 $0x7, v4;
	v5 =	vand.u32 @!p0 $0xFFFFFFC0, v5  }
0x8a: {  	v7 =	vshrl.u32 @!p0 v6, $0x3;
	v4 =	vor.u32 @!p0 v4, v5;
	v5 =	vand.u32 @!p0 $0x7, v6  }
0x8b: {  	v7 =	vmul.u32 @!p0 $0x8, v7;
	v8 =	vperm.xlane @!p0 v4, v5;
	_ =	sdelay $0x1  }
0x8c: {  	v8 =	vadd.s32 @!p0 v7, v8;
	_ =	sdelay $0x3  }
0x8d: {  	vm1 =	vmmov @!p0 $0xffff;
	s20 =	simm.s32 @!p0 $0x0;
	s22 =	simm.s32 @!p0 $0xC00  }
0x8e: {  	v6 =	vor.u32 @!p0 $0x8, v6;
	[tilespmem:s22], [sflag:$0x1] =	stream.indirect_vreg.gather @!p0 [hbm4b:s1+s20], $0x80, v8, vm1, $0xb8;
	[tilespmem:$0x10C00] =	vst v63  }
0x8f: {  	v4 =	vperm.xlane @!p0 v4, v6;
	s22 =	simm.s32 @!p0 $0x1400  }
0x90: {  	[tilespmem:s22], [sflag:$0x1] =	stream.indirect_vreg.gather @!p0 [hbm4b:s5+s20], $0x80, v8, vm1, $0xb8;
	[tilespmem:$0x10C00] =	vst v63  }
0x91: {  	v4 =	vadd.s32 @!p0 v7, v4;
	s22 =	simm.s32 @!p0 $0x1C00  }
0x92: {  	[tilespmem:s22], [sflag:$0x1] =	stream.indirect_vreg.gather @!p0 [hbm4b:s6+s20], $0x80, v8, vm1, $0xb8;
	[tilespmem:$0x10C00] =	vst v63  }
0x93: {  	s22 =	simm.s32 @!p0 $0x2400  }
0x94: {  	[tilespmem:s22], [sflag:$0x1] =	stream.indirect_vreg.gather @!p0 [hbm4b:s7+s20], $0x80, v8, vm1, $0xb8;
	[tilespmem:$0x10C00] =	vst v63  }
0x95: {  	s22 =	simm.s32 @!p0 $0x2C00  }
0x96: {  	[tilespmem:s22], [sflag:$0x1] =	stream.indirect_vreg.gather @!p0 [hbm4b:s1+s20], $0x80, v4, vm1, $0xb8;
	[tilespmem:$0x10C00] =	vst v63  }
0x97: {  	s22 =	simm.s32 @!p0 $0x3400  }
0x98: {  	[tilespmem:s22], [sflag:$0x1] =	stream.indirect_vreg.gather @!p0 [hbm4b:s5+s20], $0x80, v4, vm1, $0xb8;
	[tilespmem:$0x10C00] =	vst v63  }
0x99: {  	s22 =	simm.s32 @!p0 $0x3C00  }
0x9a: {  	[tilespmem:s22], [sflag:$0x1] =	stream.indirect_vreg.gather @!p0 [hbm4b:s6+s20], $0x80, v4, vm1, $0xb8;
	[tilespmem:$0x10C00] =	vst v63  }
0x9b: {  	s22 =	simm.s32 @!p0 $0x4400  }
0x9c: {  	[tilespmem:s22], [sflag:$0x1] =	stream.indirect_vreg.gather @!p0 [hbm4b:s7+s20], $0x80, v4, vm1, $0xb8;
	[tilespmem:$0x10C00] =	vst v63  }
0x9d: {  	_ =	swait.ge [sflag:s29], $0x4000  }
0x9e: {  	[sflag:s29] =	ssyncset.done $0x0  }
0x9f: {  	s22 =	sadd.s32 $0x800, s19;
	[sflag:s29] =	ssyncadd.s32 $0xFFFFC000  }
0xa0: {  	[hbm4b:s22+s3] =	stream.linear.scatter [tilespmem:s24], [sflag:$0x2], $0x4000, $0x38;
	[tilespmem:$0x10C00] =	vst v63  }
0xa1: {  	_ =	swait.ge @!p0 [sflag:s21], $0x4000  }
0xa2: {  	[sflag:s21] =	ssyncset.done @!p0 $0x0  }
0xa3: {  	[sflag:s21] =	ssyncadd.s32 @!p0 $0xFFFFC000  }
0xa4: {  	v4 =	vld @!p0 [tilespmem:s18+$0xFFFFFFF0];
	_ =	sdelay $0x4  }
0xa5: {  	v8 =	vshll.u32 @!p0 v4, $0x3  }
0xa6: {  	v4 =	vand.u32 @!p0 $0x7, v4;
	v8 =	vand.u32 @!p0 $0xFFFFFFC0, v8  }
0xa7: {  	v4 =	vor.u32 @!p0 v4, v8  }
0xa8: {  	v8 =	vperm.xlane @!p0 v4, v5;
	_ =	sdelay $0x1  }
0xa9: {  	v8 =	vadd.s32 @!p0 v7, v8;
	_ =	sdelay $0x3  }
0xaa: {  	s22 =	simm.s32 @!p0 $0x4C00  }
0xab: {  	[tilespmem:s22], [sflag:$0x1] =	stream.indirect_vreg.gather @!p0 [hbm4b:s1+s20], $0x80, v8, vm1, $0xb8;
	[tilespmem:$0x10C00] =	vst v63  }
0xac: {  	v4 =	vperm.xlane @!p0 v4, v6;
	s22 =	simm.s32 @!p0 $0x5400  }
0xad: {  	[tilespmem:s22], [sflag:$0x1] =	stream.indirect_vreg.gather @!p0 [hbm4b:s5+s20], $0x80, v8, vm1, $0xb8;
	[tilespmem:$0x10C00] =	vst v63  }
0xae: {  	v4 =	vadd.s32 @!p0 v7, v4;
	s22 =	simm.s32 @!p0 $0x5C00  }
0xaf: {  	[tilespmem:s22], [sflag:$0x1] =	stream.indirect_vreg.gather @!p0 [hbm4b:s6+s20], $0x80, v8, vm1, $0xb8;
	[tilespmem:$0x10C00] =	vst v63  }
0xb0: {  	s22 =	simm.s32 @!p0 $0x6400  }
0xb1: {  	[tilespmem:s22], [sflag:$0x1] =	stream.indirect_vreg.gather @!p0 [hbm4b:s7+s20], $0x80, v8, vm1, $0xb8;
	[tilespmem:$0x10C00] =	vst v63  }
0xb2: {  	s22 =	simm.s32 @!p0 $0x6C00  }
0xb3: {  	[tilespmem:s22], [sflag:$0x1] =	stream.indirect_vreg.gather @!p0 [hbm4b:s1+s20], $0x80, v4, vm1, $0xb8;
	[tilespmem:$0x10C00] =	vst v63  }
0xb4: {  	s22 =	simm.s32 @!p0 $0x7400  }
0xb5: {  	[tilespmem:s22], [sflag:$0x1] =	stream.indirect_vreg.gather @!p0 [hbm4b:s5+s20], $0x80, v4, vm1, $0xb8;
	[tilespmem:$0x10C00] =	vst v63  }
0xb6: {  	s22 =	simm.s32 @!p0 $0x7C00  }
0xb7: {  	[tilespmem:s22], [sflag:$0x1] =	stream.indirect_vreg.gather @!p0 [hbm4b:s6+s20], $0x80, v4, vm1, $0xb8;
	[tilespmem:$0x10C00] =	vst v63  }
0xb8: {  	s22 =	simm.s32 @!p0 $0x8400  }
0xb9: {  	[tilespmem:s22], [sflag:$0x1] =	stream.indirect_vreg.gather @!p0 [hbm4b:s7+s20], $0x80, v4, vm1, $0xb8;
	[tilespmem:$0x10C00] =	vst v63  }
0xba: {  	_ =	swait.ge [sflag:s29], $0x4000  }
0xbb: {  	[sflag:s29] =	ssyncset.done $0x0  }
0xbc: {  	s22 =	sadd.s32 $0x1000, s19;
	[sflag:s29] =	ssyncadd.s32 $0xFFFFC000  }
0xbd: {  	[hbm4b:s22+s3] =	stream.linear.scatter [tilespmem:s0], [sflag:$0x2], $0x4000, $0x38;
	[tilespmem:$0x10C00] =	vst v63  }
0xbe: {  	_ =	swait.ge @!p0 [sflag:s21], $0x4000  }
0xbf: {  	[sflag:s21] =	ssyncset.done @!p0 $0x0  }
0xc0: {  	[sflag:s21] =	ssyncadd.s32 @!p0 $0xFFFFC000  }
0xc1: {  	v4 =	vld @!p0 [tilespmem:s18+$0x0];
	_ =	sdelay $0x4  }
0xc2: {  	v8 =	vshll.u32 @!p0 v4, $0x3  }
0xc3: {  	v4 =	vand.u32 @!p0 $0x7, v4;
	v8 =	vand.u32 @!p0 $0xFFFFFFC0, v8  }
0xc4: {  	v4 =	vor.u32 @!p0 v4, v8  }
0xc5: {  	v5 =	vperm.xlane @!p0 v4, v5;
	_ =	sdelay $0x1  }
0xc6: {  	v5 =	vadd.s32 @!p0 v7, v5;
	_ =	sdelay $0x3  }
0xc7: {  	s21 =	simm.s32 @!p0 $0x8C00  }
0xc8: {  	[tilespmem:s21], [sflag:$0x1] =	stream.indirect_vreg.gather @!p0 [hbm4b:s1+s20], $0x80, v5, vm1, $0xb8;
	[tilespmem:$0x10C00] =	vst v63  }
0xc9: {  	v4 =	vperm.xlane @!p0 v4, v6;
	s21 =	simm.s32 @!p0 $0x9400  }
0xca: {  	[tilespmem:s21], [sflag:$0x1] =	stream.indirect_vreg.gather @!p0 [hbm4b:s5+s20], $0x80, v5, vm1, $0xb8;
	[tilespmem:$0x10C00] =	vst v63  }
0xcb: {  	v4 =	vadd.s32 @!p0 v7, v4;
	s21 =	simm.s32 @!p0 $0x9C00  }
0xcc: {  	[tilespmem:s21], [sflag:$0x1] =	stream.indirect_vreg.gather @!p0 [hbm4b:s6+s20], $0x80, v5, vm1, $0xb8;
	[tilespmem:$0x10C00] =	vst v63  }
0xcd: {  	s21 =	simm.s32 @!p0 $0xA400  }
0xce: {  	[tilespmem:s21], [sflag:$0x1] =	stream.indirect_vreg.gather @!p0 [hbm4b:s7+s20], $0x80, v5, vm1, $0xb8;
	[tilespmem:$0x10C00] =	vst v63  }
0xcf: {  	s21 =	simm.s32 @!p0 $0xAC00  }
0xd0: {  	[tilespmem:s21], [sflag:$0x1] =	stream.indirect_vreg.gather @!p0 [hbm4b:s1+s20], $0x80, v4, vm1, $0xb8;
	[tilespmem:$0x10C00] =	vst v63  }
0xd1: {  	s21 =	simm.s32 @!p0 $0xB400  }
0xd2: {  	[tilespmem:s21], [sflag:$0x1] =	stream.indirect_vreg.gather @!p0 [hbm4b:s5+s20], $0x80, v4, vm1, $0xb8;
	[tilespmem:$0x10C00] =	vst v63  }
0xd3: {  	s21 =	simm.s32 @!p0 $0xBC00  }
0xd4: {  	[tilespmem:s21], [sflag:$0x1] =	stream.indirect_vreg.gather @!p0 [hbm4b:s6+s20], $0x80, v4, vm1, $0xb8;
	[tilespmem:$0x10C00] =	vst v63  }
0xd5: {  	s17 =	sadd.s32 $0x2000, s17;
	s21 =	simm.s32 @!p0 $0xC400  }
0xd6: {  	[tilespmem:s21], [sflag:$0x1] =	stream.indirect_vreg.gather @!p0 [hbm4b:s7+s20], $0x80, v4, vm1, $0xb8;
	[tilespmem:$0x10C00] =	vst v63  }
0xd7: {  	p0 =	sne.s32 s17, $0x20000  }
.Ltmp1:
0xd8: {  	_ = 	snop;
	(pc) =	sbr.rel @p0 .LBB2_4-.Ltmp1, $4  }
0xd9: {  	_ =	swait.ge [sflag:s29], $0x4000  }
0xda: {  	[sflag:s29] =	ssyncset.done $0x0  }
0xdb: {  	s19 =	sadd.s32 $0x1800, s19;
	s18 =	sadd.s32 $0x40, s18;
	[sflag:s29] =	ssyncadd.s32 $0xFFFFC000  }
0xdc: {  	[hbm4b:s19+s3] =	stream.linear.scatter [tilespmem:s28], [sflag:$0x2], $0x4000, $0x38;
	[tilespmem:$0x10C00] =	vst v63  }
0xdd: {  	_ =	swait.ge [sflag:s30], $0x4000  }
0xde: {  	[sflag:s30] =	ssyncset.done $0x0  }
0xdf: {  	[sflag:s30] =	ssyncadd.s32 $0xFFFFC000  }
0xe0: {  	_ =	swait.ge [sflag:s30], $0x4000  }
0xe1: {  	[sflag:s30] =	ssyncset.done $0x0  }
0xe2: {  	[sflag:s30] =	ssyncadd.s32 $0xFFFFC000  }
0xe3: {  	_ =	swait.ge [sflag:s30], $0x4000  }
0xe4: {  	[sflag:s30] =	ssyncset.done $0x0  }
0xe5: {  	[sflag:s30] =	ssyncadd.s32 $0xFFFFC000  }
0xe6: {  	_ =	swait.ge [sflag:s30], $0x4000  }
0xe7: {  	[sflag:s30] =	ssyncset.done $0x0  }
0xe8: {  	[sflag:s30] =	ssyncadd.s32 $0xFFFFC000  }
0xe9: {  	_ =	swait.ge [sflag:s31], $0x400  }
0xea: {  	[sflag:s31] =	ssyncset.done $0x0  }
0xeb: {  	[sflag:s31] =	ssyncadd.s32 $0xFFFFFC00  }
0xec: {  	s2 =	sadd.s32 $0x1, s2;
	_ =	swait.ge [sflag:s31], $0x400  }
0xed: {  	p0 =	sne.s32 s2, s11;
	[sflag:s31] =	ssyncset.done $0x0  }
.Ltmp2:
0xee: {  	[sflag:s31] =	ssyncadd.s32 $0xFFFFFC00;
	(pc) =	sbr.rel @p0 .LBB2_1-.Ltmp2, $4  }
0xef: {  	[hbm4b:s10+s13] =	stream.strided.scatter [tilespmem:s26], [sflag:$0x4], $0x400, s14, s13, $0x38;
	[tilespmem:$0x10C00] =	vst v63  }
0xf0: {  	_ =	swait.ge [sflag:s15], $0x400  }
0xf1: {  	[sflag:s15] =	ssyncset.done $0x0  }
0xf2: {  	[sflag:s15] =	ssyncadd.s32 $0xFFFFFC00  }
0xf3: {  	_ =	sfence.sel $0x180000  }
0xf4: {  	[bflag:$0x0] =	sbarrier.arrive $0xFFFF  }
0xf5: {  	_ =	strace $0x90000047  }
0xf6: {  	s0 =	stileid.u32;
	[bflag:$0x2] =	sbarrier.arrive $0xFFFF  }
0xf7: {  	p0 =	sne.s32 s0, $0x0;
	s0 =	rddreg [dreg:$0x6]  }
0xf8: {  	s0 =	sadd.s32 @!p0 $0x100000, s0  }
0xf9: {  	[sflag:s0] =	ssyncadd.tile.s32 @!p0 $0x1;
	_ =	shalt  }
.Lfunc_end2:
_tile_overlayer_lowered:
.L_overlay_start_2:
0xfa: {  	(tag) =	ssettag $0x2  }
0xfb: {  	s0 =	rddreg [dreg:$0x0];
	s2 =	stileid.u32  }
0xfc: {  	s1 =	rddreg [dreg:$0x1];
	p0 =	sne.s32 s2, $0x0  }
0xfd: {  	s3 =	rddreg [dreg:$0x2];
	[bflag:$0x3] =	sbarrier.arrive $0xFFFF;
	s2 =	simm.s32 @!p0 $0x1C04  }
0xfe: {  	[timem:s3], [sflag:s2] =	dma.local @!p0 [hbm:s0], s1  }
0xff: {  	s0 =	simm.s32 @!p0 $0x4  }
0x100: {  	_ =	swait.ge @!p0 [sflag:s0], s1  }
0x101: {  	s1 =	ssub.s32 @!p0 $0x0, s1;
	[sflag:s0] =	ssyncset.done @!p0 $0x0  }
0x102: {  	[sflag:s0] =	ssyncadd.s32 @!p0 s1  }
0x103: {  	[bflag:$0x3] =	sbarrier.arrive $0xFFFF  }
0x104: {  	_ =	shalt  }

</sc_bundles>
